<compile_context>
chip_gen: v7x
topology: tpu7x:2x2x1
jax: 0.10.2.dev20260603
libtpu: 0.0.44.dev20260713+nightly
codegen_flags: <defaults>
</compile_context>

<pallas_src>
import functools

import jax
import jax.numpy as jnp
from jax import lax
from jax.experimental import pallas as pl
from jax.experimental.pallas import tpu as pltpu
from jax.experimental.pallas import tpu_sc as plsc

HEADS = 4
TBL_W = 128
UNIT = 512
STREAM = 128
NW = 32
B_TILE = 400


def _sc_gather_body(n_units, trips, tbl_hbm, idx_hbm, out_hbm, idx_v, rows_v, sem):
    cid = lax.axis_index("c")
    sid = lax.axis_index("s")
    w = sid * 2 + cid

    def body(t, carry):
        u = w + NW * t

        @pl.when(u < n_units)
        def _():
            base = u * UNIT
            pltpu.sync_copy(idx_hbm.at[pl.ds(base, UNIT)], idx_v)
            cps = []
            for j in range(UNIT // STREAM):
                cps.append(pltpu.async_copy(
                    tbl_hbm.at[idx_v.at[pl.ds(j * STREAM, STREAM)]],
                    rows_v.at[pl.ds(j * STREAM, STREAM)],
                    sem))
            for cp in cps:
                cp.wait()
            pltpu.sync_copy(rows_v, out_hbm.at[pl.ds(base, UNIT)])

        return carry

    lax.fori_loop(0, trips, body, 0)


def _tc_attn_body(K, tr_ref, ts_ref, wq_ref, wk_ref, wv_ref, wsel_ref, bp1_ref,
                  wp2_ref, bp2_ref, wout_ref, bout_ref, gamma_ref, beta_ref,
                  ss_ref, pmat_ref, sel6_ref, selb_ref, prt_ref, ptt_ref,
                  pang_ref, prr_ref, m64_ref, out_ref):
    f32 = jnp.float32
    ts = ts_ref[...]
    x_i = ts[:, 0:64]
    p_i = ts[:, 64:67]
    n_i = ts[:, 67:70]
    B = ts.shape[0]

    wq = wq_ref[...]
    wk = wk_ref[...]
    wv = wv_ref[...]
    bp1 = bp1_ref[...][None, :]
    wp2 = wp2_ref[...]
    bp2 = bp2_ref[...][None, :]
    ss = ss_ref[...]

    q = jnp.dot(x_i, wq, preferred_element_type=f32)

    kb = [jnp.dot(tr_ref[k][:, 0:64], wk, preferred_element_type=f32)
          for k in range(K)]
    vb = [jnp.dot(tr_ref[k][:, 0:64], wv, preferred_element_type=f32)
          for k in range(K)]

    m_geo = jnp.zeros((B, 6 * K), f32)
    for k in range(K):
        m_geo = m_geo + jnp.dot(tr_ref[k][:, 64:70], pmat_ref[6 * k:6 * k + 6],
                                preferred_element_type=f32)
    pn6 = ts[:, 64:70]
    geo = [jnp.dot(m_geo, sel6_ref[6 * K * c:6 * K * (c + 1)],
                   preferred_element_type=f32) for c in range(6)]
    pxn, pyn, pzn, nxn, nyn, nzn = geo
    bc = [jnp.dot(pn6, selb_ref[6 * c:6 * (c + 1)],
                  preferred_element_type=f32) for c in range(6)]
    bx, by, bz, nix, niy, niz = bc
    dx = pxn - bx
    dy = pyn - by
    dz = pzn - bz

    c1x = niy * dz - niz * dy
    c1y = niz * dx - nix * dz
    c1z = nix * dy - niy * dx
    q1 = c1x * c1x + c1y * c1y + c1z * c1z
    t1 = nix * dx + niy * dy + niz * dz
    c2x = nyn * dz - nzn * dy
    c2y = nzn * dx - nxn * dz
    c2z = nxn * dy - nyn * dx
    q2 = c2x * c2x + c2y * c2y + c2z * c2z
    t2 = nxn * dx + nyn * dy + nzn * dz
    c3x = niy * nzn - niz * nyn
    c3y = niz * nxn - nix * nzn
    c3z = nix * nyn - niy * nxn
    q3 = c3x * c3x + c3y * c3y + c3z * c3z
    t3 = nix * nxn + niy * nyn + niz * nzn
    d2 = dx * dx + dy * dy + dz * dz
    rt_in = (jnp.dot(q1, prt_ref[0:K], preferred_element_type=f32)
             + jnp.dot(q2, prt_ref[K:2 * K], preferred_element_type=f32)
             + jnp.dot(q3, prt_ref[2 * K:3 * K], preferred_element_type=f32)
             + jnp.dot(d2, prt_ref[3 * K:4 * K], preferred_element_type=f32))
    rt = jnp.sqrt(rt_in)
    tt = (jnp.dot(t1, ptt_ref[0:K], preferred_element_type=f32)
          + jnp.dot(t2, ptt_ref[K:2 * K], preferred_element_type=f32)
          + jnp.dot(t3, ptt_ref[2 * K:3 * K], preferred_element_type=f32))
    ang = jnp.arctan2(rt[:, 0:3 * K], tt)
    ppf_all = (jnp.dot(ang, pang_ref[...], preferred_element_type=f32)
               + jnp.dot(rt, prr_ref[...], preferred_element_type=f32))

    s = jnp.zeros((B, 64), f32)
    acc = jnp.zeros((B, 64), f32)
    for k in range(K):
        h = jnp.dot(ppf_all, wsel_ref[4 * K * k:4 * K * (k + 1)],
                    preferred_element_type=f32) + bp1
        pe = jnp.dot(jnp.maximum(h, 0.0), wp2, preferred_element_type=f32) + bp2
        kf = kb[k] + pe
        vf = vb[k] + pe
        e = jnp.exp(jnp.dot(q * kf, ss, preferred_element_type=f32))
        s = s + e
        acc = acc + e * vf

    o = acc / s
    o = jnp.dot(o, wout_ref[...], preferred_element_type=f32) + bout_ref[...][None, :]
    mu_b = jnp.dot(o, m64_ref[...], preferred_element_type=f32)
    dev = o - mu_b
    var_b = jnp.dot(dev * dev, m64_ref[...], preferred_element_type=f32)
    o = dev * lax.rsqrt(var_b + 1e-5) * gamma_ref[...][None, :] + beta_ref[...][None, :]
    out_ref[...] = jnp.maximum(o + x_i, 0.0)


def kernel(p, x, n, group_idx, W_q, W_k, W_v, W_p1, b_p1, W_p2, b_p2,
           W_out, b_out, gamma, beta):
    N, C = x.shape
    K = group_idx.shape[1]
    H = W_q.shape[1]
    R = N * K

    tbl = jnp.concatenate(
        [x, p, n, jnp.zeros((N, TBL_W - C - 6), jnp.float32)], axis=1)
    idx_flat = group_idx.astype(jnp.int32).T.reshape(R)
    dh = H // HEADS
    ss = jnp.repeat(jnp.repeat(jnp.eye(HEADS, dtype=jnp.float32), dh, axis=0),
                    dh, axis=1) / jnp.float32(dh ** 0.5)
    rows = jnp.arange(K * 6)
    pmat = jax.nn.one_hot((rows % 6) * K + rows // 6, 6 * K,
                          dtype=jnp.float32)
    r_idx = jnp.arange(4 * K)
    mask = (r_idx[None, :] % K) == jnp.arange(K)[:, None]
    wsel = (mask[:, :, None] * W_p1[r_idx // K][None, :, :]).reshape(4 * K * K, H)
    sel6 = jnp.concatenate(
        [jax.nn.one_hot(jnp.arange(6 * K) - c * K, K, dtype=jnp.float32)
         for c in range(6)], axis=0)
    selb = jnp.concatenate(
        [jnp.outer(jax.nn.one_hot(c, 6, dtype=jnp.float32),
                   jnp.ones((K,), jnp.float32)) for c in range(6)], axis=0)
    prt = jnp.concatenate(
        [jax.nn.one_hot(jnp.arange(K) + c * K, 4 * K, dtype=jnp.float32)
         for c in range(4)], axis=0)
    ptt = jnp.concatenate(
        [jax.nn.one_hot(jnp.arange(K) + c * K, 3 * K, dtype=jnp.float32)
         for c in range(3)], axis=0)
    pang = jax.nn.one_hot(jnp.arange(3 * K), 4 * K, dtype=jnp.float32)
    prr = jnp.diag((jnp.arange(4 * K) >= 3 * K).astype(jnp.float32))
    m64 = jnp.ones((C, C), jnp.float32) / jnp.float32(C)

    n_units = R // UNIT
    trips = (n_units + NW - 1) // NW
    gathered = pl.kernel(
        functools.partial(_sc_gather_body, n_units, trips),
        out_type=jax.ShapeDtypeStruct((R, TBL_W), jnp.float32),
        mesh=plsc.VectorSubcoreMesh(core_axis_name="c", subcore_axis_name="s"),
        scratch_types=[
            pltpu.VMEM((UNIT,), jnp.int32),
            pltpu.VMEM((UNIT, TBL_W), jnp.float32),
            pltpu.SemaphoreType.DMA,
        ],
    )(tbl, idx_flat)
    g3 = gathered.reshape(K, N, TBL_W)

    B = B_TILE
    grid = (N // B,)
    full = lambda shape: pl.BlockSpec(shape, lambda i: tuple(0 for _ in shape))
    out = pl.pallas_call(
        functools.partial(_tc_attn_body, K),
        grid=grid,
        in_specs=[
            pl.BlockSpec((K, B, TBL_W), lambda i: (0, i, 0)),
            pl.BlockSpec((B, TBL_W), lambda i: (i, 0)),
            full((C, H)), full((C, H)), full((C, H)),
            full((4 * K * K, H)), full((H,)),
            full((H, H)), full((H,)),
            full((H, C)), full((C,)),
            full((C,)), full((C,)),
            full((H, H)), full((K * 6, K * 6)),
            full((6 * 6 * K, K)), full((36, K)),
            full((4 * K, 4 * K)), full((3 * K, 3 * K)),
            full((3 * K, 4 * K)), full((4 * K, 4 * K)), full((C, C)),
        ],
        out_specs=pl.BlockSpec((B, C), lambda i: (i, 0)),
        out_shape=jax.ShapeDtypeStruct((N, C), jnp.float32),
    )(g3, tbl, W_q, W_k, W_v, wsel, b_p1, W_p2, b_p2,
      W_out, b_out, gamma, beta, ss, pmat, sel6, selb, prt, ptt,
      pang, prr, m64)
    return out

# --- scband reference (transcript-rebuilt; emitter-appended) ---
"""Pipeline reference for scband-ripoint-transformer-48223892799871 (READ-ONLY COPY).

The authoritative reference and input builder live on the scoring server;
editing this copy changes nothing except your own understanding.
"""

import jax, jax.numpy as jnp
import numpy as np

N = 100000
K = 16
C = 64
H = 64
HEADS = 4


def setup_inputs(seed: int = 0) -> dict:
    key = jax.random.key(seed)
    ks = jax.random.split(key, 16)
    p = jax.random.uniform(ks[0], (N, 3), dtype=jnp.float32)
    x = jax.random.normal(ks[1], (N, C), dtype=jnp.float32)
    n_raw = jax.random.normal(ks[2], (N, 3), dtype=jnp.float32)
    n = n_raw / (jnp.linalg.norm(n_raw, axis=-1, keepdims=True) + 1e-8)
    group_idx = jax.random.randint(ks[3], (N, K), 0, N, dtype=jnp.int64)
    s = 0.05
    W_q = jax.random.normal(ks[4], (C, H), dtype=jnp.float32) * s
    W_k = jax.random.normal(ks[5], (C, H), dtype=jnp.float32) * s
    W_v = jax.random.normal(ks[6], (C, H), dtype=jnp.float32) * s
    W_p1 = jax.random.normal(ks[7], (4, H), dtype=jnp.float32) * s
    b_p1 = jnp.zeros((H,), dtype=jnp.float32)
    W_p2 = jax.random.normal(ks[8], (H, H), dtype=jnp.float32) * s
    b_p2 = jnp.zeros((H,), dtype=jnp.float32)
    W_out = jax.random.normal(ks[9], (H, C), dtype=jnp.float32) * s
    b_out = jnp.zeros((C,), dtype=jnp.float32)
    gamma = jnp.ones((C,), dtype=jnp.float32)
    beta = jnp.zeros((C,), dtype=jnp.float32)
    return {"p": p, "x": x, "n": n, "group_idx": group_idx,
            "W_q": W_q, "W_k": W_k, "W_v": W_v,
            "W_p1": W_p1, "b_p1": b_p1, "W_p2": W_p2, "b_p2": b_p2,
            "W_out": W_out, "b_out": b_out, "gamma": gamma, "beta": beta}


def _angle(u, v):
    cross = jnp.cross(u, v)
    return jnp.arctan2(jnp.linalg.norm(cross, axis=-1), jnp.sum(u * v, axis=-1))


def reference(p, x, n, group_idx, W_q, W_k, W_v, W_p1, b_p1, W_p2, b_p2, W_out, b_out, gamma, beta):
    # RIPointTransformerBlock core: gather kNN neighbors, compute rotation-invariant
    # PPF (calc_ppf_gpu), LocalPPFTransformer multi-head neighborhood attention,
    # then LayerNorm + residual + ReLU (bn2 / identity / relu in the block).
    p_r = p[group_idx]              # (N, K, 3) gather
    n_r = n[group_idx]              # (N, K, 3) gather
    d = p_r - p[:, None, :]
    dist = jnp.linalg.norm(d, axis=-1)
    n_i = jnp.broadcast_to(n[:, None, :], d.shape)
    ppf = jnp.stack([_angle(n_i, d), _angle(n_r, d), _angle(n_i, n_r), dist], axis=-1)  # (N,K,4)
    ppf_emb = jax.nn.relu(ppf @ W_p1 + b_p1) @ W_p2 + b_p2  # (N,K,H)
    x_r = x[group_idx]              # (N, K, C) gather
    q = x @ W_q                     # (N, H)
    k_feat = x_r @ W_k + ppf_emb    # (N, K, H)
    v_feat = x_r @ W_v + ppf_emb    # (N, K, H)
    dh = H // HEADS
    qh = q.reshape(N, HEADS, dh)
    kh = k_feat.reshape(N, K, HEADS, dh)
    vh = v_feat.reshape(N, K, HEADS, dh)
    attn = jnp.einsum('nhd,nkhd->nkh', qh, kh) / jnp.sqrt(jnp.float32(dh))
    attn = jax.nn.softmax(attn, axis=1)
    out = jnp.einsum('nkh,nkhd->nhd', attn, vh).reshape(N, H)
    out = out @ W_out + b_out
    mu = out.mean(-1, keepdims=True)
    var = out.var(-1, keepdims=True)
    out_ln = (out - mu) / jnp.sqrt(var + 1e-5) * gamma + beta
    out = jax.nn.relu(out_ln + x)
    return out

if __name__ == "__main__":
    import jax
    _d = setup_inputs()
    print(jax.jit(kernel)(*tuple(_d.values())))

</pallas_src>

<mosaic_0001>
#map = affine_map<(d0, d1) -> (0, 0)>
#map1 = affine_map<(d0, d1) -> (0)>
module attributes {stable_mosaic.version = 14 : i64} {
  func.func @_sc_gather_body(%arg0: i32, %arg1: i32, %arg2: memref<100000x128xf32, #tpu.memory_space<hbm>>, %arg3: memref<1600000xi32, #tpu.memory_space<hbm>>, %arg4: memref<1600000x128xf32, #tpu.memory_space<hbm>>, %arg5: memref<512xi32, #tpu.memory_space<vmem>>, %arg6: memref<512x128xf32, #tpu.memory_space<vmem>>, %arg7: memref<!tpu.dma_semaphore, #tpu.memory_space<semaphore_mem>>) attributes {dimension_semantics = [#tpu.dimension_semantics<core_parallel>, #tpu.dimension_semantics<subcore_parallel>], iteration_bounds = array<i64: 2, 16>, scalar_prefetch = 0 : i64, scratch_operands = 3 : i64, tpu.core_type = #tpu.core_type<sc_vector_subcore>, window_params = [{transform_indices = #map}, {transform_indices = #map1}, {transform_indices = #map}]} {
    %mul3A = arith.constant 2 : i32
    %mul3A_0 = arith.muli %arg1, %mul3A : i32
    %add3A = arith.addi %mul3A_0, %arg0 : i32
    %scan3A = arith.constant 0 : i32
    %scan3A_1 = arith.constant 0 : i32
    %scan3A_2 = arith.constant 98 : i32
    %scan3A_3 = arith.addi %scan3A_1, %scan3A_2 : i32
    %scan3A_4 = arith.constant 1 : i32
    scf.for %scan3A_6 = %scan3A_1 to %scan3A_3 step %scan3A_4  : i32 {
      %mul3A_7 = arith.constant 32 : i32
      %mul3A_8 = arith.muli %mul3A_7, %scan3A_6 : i32
      %add3A_9 = arith.addi %add3A, %mul3A_8 : i32
      %lt3A = arith.constant 3125 : i32
      %lt3A_10 = arith.cmpi slt, %add3A_9, %lt3A : i32
      %convert_element_type3A = arith.extui %lt3A_10 : i1 to i32
      %cond3A = arith.constant 0 : i32
      %cond3A_11 = arith.cmpi ne, %convert_element_type3A, %cond3A : i32
      scf.if %cond3A_11 {
        %mul3A_12 = arith.constant 512 : i32
        %mul3A_13 = arith.muli %add3A_9, %mul3A_12 : i32
        "tpu.region"() ({
          %run_scoped3A = tpu.sem_alloc : memref<!tpu.dma_semaphore, #tpu.memory_space<semaphore_mem>>
          %dma_start3A_76 = tpu.memref_slice %arg3[%mul3A_13] : memref<1600000xi32, #tpu.memory_space<hbm>> -> memref<512xi32, #tpu.memory_space<hbm>>
          %dma_start3A_77 = tpu.memref_slice %arg3[%mul3A_13] : memref<1600000xi32, #tpu.memory_space<hbm>> -> memref<512xi32, #tpu.memory_space<hbm>>
          tpu.enqueue_dma source(%dma_start3A_77 : memref<512xi32, #tpu.memory_space<hbm>>) target(%arg5 : memref<512xi32, #tpu.memory_space<vmem>>) target_semaphore(%run_scoped3A : memref<!tpu.dma_semaphore, #tpu.memory_space<semaphore_mem>>)
          %dma_wait3A_78 = tpu.memref_slice %arg3[%mul3A_13] : memref<1600000xi32, #tpu.memory_space<hbm>> -> memref<512xi32, #tpu.memory_space<hbm>>
          %dma_wait3A_79 = tpu.memref_slice %arg3[%mul3A_13] : memref<1600000xi32, #tpu.memory_space<hbm>> -> memref<512xi32, #tpu.memory_space<hbm>>
          tpu.wait_dma2 semaphore(%run_scoped3A : memref<!tpu.dma_semaphore, #tpu.memory_space<semaphore_mem>>) src(%dma_wait3A_79 : memref<512xi32, #tpu.memory_space<hbm>>) dst(%arg5 : memref<512xi32, #tpu.memory_space<vmem>>)
          tpu.yield
        }) : () -> ()
        %dma_start3A = arith.constant 0 : i32
        %dma_start3A_14 = arith.constant 0 : i32
        %dma_start3A_15 = tpu.memref_slice %arg6[%dma_start3A, %dma_start3A_14] : memref<512x128xf32, #tpu.memory_space<vmem>> -> memref<128x128xf32, #tpu.memory_space<vmem>>
        %dma_start3A_16 = arith.constant 0 : i32
        %dma_start3A_17 = tpu.memref_slice %arg5[%dma_start3A_16] : memref<512xi32, #tpu.memory_space<vmem>> -> memref<128xi32, #tpu.memory_space<vmem>>
        %dma_start3A_18 = arith.constant 0 : i32
        %dma_start3A_19 = arith.constant 0 : i32
        %dma_start3A_20 = tpu.memref_slice %arg2[%dma_start3A_18, %dma_start3A_19] : memref<100000x128xf32, #tpu.memory_space<hbm>> -> memref<100000x128xf32, #tpu.memory_space<hbm>>
        tpu.enqueue_indirect_dma source(%dma_start3A_20 : memref<100000x128xf32, #tpu.memory_space<hbm>>) target(%dma_start3A_15 : memref<128x128xf32, #tpu.memory_space<vmem>>) offsets(%dma_start3A_17 : memref<128xi32, #tpu.memory_space<vmem>>) semaphore(%arg7 : memref<!tpu.dma_semaphore, #tpu.memory_space<semaphore_mem>>)
        %dma_start3A_21 = arith.constant 128 : i32
        %dma_start3A_22 = arith.constant 0 : i32
        %dma_start3A_23 = tpu.memref_slice %arg6[%dma_start3A_21, %dma_start3A_22] : memref<512x128xf32, #tpu.memory_space<vmem>> -> memref<128x128xf32, #tpu.memory_space<vmem>>
        %dma_start3A_24 = arith.constant 128 : i32
        %dma_start3A_25 = tpu.memref_slice %arg5[%dma_start3A_24] : memref<512xi32, #tpu.memory_space<vmem>> -> memref<128xi32, #tpu.memory_space<vmem>>
        %dma_start3A_26 = arith.constant 0 : i32
        %dma_start3A_27 = arith.constant 0 : i32
        %dma_start3A_28 = tpu.memref_slice %arg2[%dma_start3A_26, %dma_start3A_27] : memref<100000x128xf32, #tpu.memory_space<hbm>> -> memref<100000x128xf32, #tpu.memory_space<hbm>>
        tpu.enqueue_indirect_dma source(%dma_start3A_28 : memref<100000x128xf32, #tpu.memory_space<hbm>>) target(%dma_start3A_23 : memref<128x128xf32, #tpu.memory_space<vmem>>) offsets(%dma_start3A_25 : memref<128xi32, #tpu.memory_space<vmem>>) semaphore(%arg7 : memref<!tpu.dma_semaphore, #tpu.memory_space<semaphore_mem>>)
        %dma_start3A_29 = arith.constant 256 : i32
        %dma_start3A_30 = arith.constant 0 : i32
        %dma_start3A_31 = tpu.memref_slice %arg6[%dma_start3A_29, %dma_start3A_30] : memref<512x128xf32, #tpu.memory_space<vmem>> -> memref<128x128xf32, #tpu.memory_space<vmem>>
        %dma_start3A_32 = arith.constant 256 : i32
        %dma_start3A_33 = tpu.memref_slice %arg5[%dma_start3A_32] : memref<512xi32, #tpu.memory_space<vmem>> -> memref<128xi32, #tpu.memory_space<vmem>>
        %dma_start3A_34 = arith.constant 0 : i32
        %dma_start3A_35 = arith.constant 0 : i32
        %dma_start3A_36 = tpu.memref_slice %arg2[%dma_start3A_34, %dma_start3A_35] : memref<100000x128xf32, #tpu.memory_space<hbm>> -> memref<100000x128xf32, #tpu.memory_space<hbm>>
        tpu.enqueue_indirect_dma source(%dma_start3A_36 : memref<100000x128xf32, #tpu.memory_space<hbm>>) target(%dma_start3A_31 : memref<128x128xf32, #tpu.memory_space<vmem>>) offsets(%dma_start3A_33 : memref<128xi32, #tpu.memory_space<vmem>>) semaphore(%arg7 : memref<!tpu.dma_semaphore, #tpu.memory_space<semaphore_mem>>)
        %dma_start3A_37 = arith.constant 384 : i32
        %dma_start3A_38 = arith.constant 0 : i32
        %dma_start3A_39 = tpu.memref_slice %arg6[%dma_start3A_37, %dma_start3A_38] : memref<512x128xf32, #tpu.memory_space<vmem>> -> memref<128x128xf32, #tpu.memory_space<vmem>>
        %dma_start3A_40 = arith.constant 384 : i32
        %dma_start3A_41 = tpu.memref_slice %arg5[%dma_start3A_40] : memref<512xi32, #tpu.memory_space<vmem>> -> memref<128xi32, #tpu.memory_space<vmem>>
        %dma_start3A_42 = arith.constant 0 : i32
        %dma_start3A_43 = arith.constant 0 : i32
        %dma_start3A_44 = tpu.memref_slice %arg2[%dma_start3A_42, %dma_start3A_43] : memref<100000x128xf32, #tpu.memory_space<hbm>> -> memref<100000x128xf32, #tpu.memory_space<hbm>>
        tpu.enqueue_indirect_dma source(%dma_start3A_44 : memref<100000x128xf32, #tpu.memory_space<hbm>>) target(%dma_start3A_39 : memref<128x128xf32, #tpu.memory_space<vmem>>) offsets(%dma_start3A_41 : memref<128xi32, #tpu.memory_space<vmem>>) semaphore(%arg7 : memref<!tpu.dma_semaphore, #tpu.memory_space<semaphore_mem>>)
        %dma_wait3A = arith.constant 0 : i32
        %dma_wait3A_45 = arith.constant 0 : i32
        %dma_wait3A_46 = tpu.memref_slice %arg6[%dma_wait3A, %dma_wait3A_45] : memref<512x128xf32, #tpu.memory_space<vmem>> -> memref<128x128xf32, #tpu.memory_space<vmem>>
        %dma_wait3A_47 = arith.constant 0 : i32
        %dma_wait3A_48 = tpu.memref_slice %arg5[%dma_wait3A_47] : memref<512xi32, #tpu.memory_space<vmem>> -> memref<128xi32, #tpu.memory_space<vmem>>
        %dma_wait3A_49 = arith.constant 0 : i32
        %dma_wait3A_50 = arith.constant 0 : i32
        %dma_wait3A_51 = tpu.memref_slice %arg2[%dma_wait3A_49, %dma_wait3A_50] : memref<100000x128xf32, #tpu.memory_space<hbm>> -> memref<100000x128xf32, #tpu.memory_space<hbm>>
        tpu.wait_indirect_dma semaphore(%arg7 : memref<!tpu.dma_semaphore, #tpu.memory_space<semaphore_mem>>) src(%dma_wait3A_51 : memref<100000x128xf32, #tpu.memory_space<hbm>>) dst(%dma_wait3A_46 : memref<128x128xf32, #tpu.memory_space<vmem>>)
        %dma_wait3A_52 = arith.constant 128 : i32
        %dma_wait3A_53 = arith.constant 0 : i32
        %dma_wait3A_54 = tpu.memref_slice %arg6[%dma_wait3A_52, %dma_wait3A_53] : memref<512x128xf32, #tpu.memory_space<vmem>> -> memref<128x128xf32, #tpu.memory_space<vmem>>
        %dma_wait3A_55 = arith.constant 128 : i32
        %dma_wait3A_56 = tpu.memref_slice %arg5[%dma_wait3A_55] : memref<512xi32, #tpu.memory_space<vmem>> -> memref<128xi32, #tpu.memory_space<vmem>>
        %dma_wait3A_57 = arith.constant 0 : i32
        %dma_wait3A_58 = arith.constant 0 : i32
        %dma_wait3A_59 = tpu.memref_slice %arg2[%dma_wait3A_57, %dma_wait3A_58] : memref<100000x128xf32, #tpu.memory_space<hbm>> -> memref<100000x128xf32, #tpu.memory_space<hbm>>
        tpu.wait_indirect_dma semaphore(%arg7 : memref<!tpu.dma_semaphore, #tpu.memory_space<semaphore_mem>>) src(%dma_wait3A_59 : memref<100000x128xf32, #tpu.memory_space<hbm>>) dst(%dma_wait3A_54 : memref<128x128xf32, #tpu.memory_space<vmem>>)
        %dma_wait3A_60 = arith.constant 256 : i32
        %dma_wait3A_61 = arith.constant 0 : i32
        %dma_wait3A_62 = tpu.memref_slice %arg6[%dma_wait3A_60, %dma_wait3A_61] : memref<512x128xf32, #tpu.memory_space<vmem>> -> memref<128x128xf32, #tpu.memory_space<vmem>>
        %dma_wait3A_63 = arith.constant 256 : i32
        %dma_wait3A_64 = tpu.memref_slice %arg5[%dma_wait3A_63] : memref<512xi32, #tpu.memory_space<vmem>> -> memref<128xi32, #tpu.memory_space<vmem>>
        %dma_wait3A_65 = arith.constant 0 : i32
        %dma_wait3A_66 = arith.constant 0 : i32
        %dma_wait3A_67 = tpu.memref_slice %arg2[%dma_wait3A_65, %dma_wait3A_66] : memref<100000x128xf32, #tpu.memory_space<hbm>> -> memref<100000x128xf32, #tpu.memory_space<hbm>>
        tpu.wait_indirect_dma semaphore(%arg7 : memref<!tpu.dma_semaphore, #tpu.memory_space<semaphore_mem>>) src(%dma_wait3A_67 : memref<100000x128xf32, #tpu.memory_space<hbm>>) dst(%dma_wait3A_62 : memref<128x128xf32, #tpu.memory_space<vmem>>)
        %dma_wait3A_68 = arith.constant 384 : i32
        %dma_wait3A_69 = arith.constant 0 : i32
        %dma_wait3A_70 = tpu.memref_slice %arg6[%dma_wait3A_68, %dma_wait3A_69] : memref<512x128xf32, #tpu.memory_space<vmem>> -> memref<128x128xf32, #tpu.memory_space<vmem>>
        %dma_wait3A_71 = arith.constant 384 : i32
        %dma_wait3A_72 = tpu.memref_slice %arg5[%dma_wait3A_71] : memref<512xi32, #tpu.memory_space<vmem>> -> memref<128xi32, #tpu.memory_space<vmem>>
        %dma_wait3A_73 = arith.constant 0 : i32
        %dma_wait3A_74 = arith.constant 0 : i32
        %dma_wait3A_75 = tpu.memref_slice %arg2[%dma_wait3A_73, %dma_wait3A_74] : memref<100000x128xf32, #tpu.memory_space<hbm>> -> memref<100000x128xf32, #tpu.memory_space<hbm>>
        tpu.wait_indirect_dma semaphore(%arg7 : memref<!tpu.dma_semaphore, #tpu.memory_space<semaphore_mem>>) src(%dma_wait3A_75 : memref<100000x128xf32, #tpu.memory_space<hbm>>) dst(%dma_wait3A_70 : memref<128x128xf32, #tpu.memory_space<vmem>>)
        "tpu.region"() ({
          %run_scoped3A = tpu.sem_alloc : memref<!tpu.dma_semaphore, #tpu.memory_space<semaphore_mem>>
          %dma_start3A_76 = arith.constant 0 : i32
          %dma_start3A_77 = tpu.memref_slice %arg4[%mul3A_13, %dma_start3A_76] : memref<1600000x128xf32, #tpu.memory_space<hbm>> -> memref<512x128xf32, #tpu.memory_space<hbm>>
          %dma_start3A_78 = arith.constant 0 : i32
          %dma_start3A_79 = tpu.memref_slice %arg4[%mul3A_13, %dma_start3A_78] : memref<1600000x128xf32, #tpu.memory_space<hbm>> -> memref<512x128xf32, #tpu.memory_space<hbm>>
          tpu.enqueue_dma source(%arg6 : memref<512x128xf32, #tpu.memory_space<vmem>>) target(%dma_start3A_79 : memref<512x128xf32, #tpu.memory_space<hbm>>) target_semaphore(%run_scoped3A : memref<!tpu.dma_semaphore, #tpu.memory_space<semaphore_mem>>)
          %dma_wait3A_80 = arith.constant 0 : i32
          %dma_wait3A_81 = tpu.memref_slice %arg4[%mul3A_13, %dma_wait3A_80] : memref<1600000x128xf32, #tpu.memory_space<hbm>> -> memref<512x128xf32, #tpu.memory_space<hbm>>
          %dma_wait3A_82 = arith.constant 0 : i32
          %dma_wait3A_83 = tpu.memref_slice %arg4[%mul3A_13, %dma_wait3A_82] : memref<1600000x128xf32, #tpu.memory_space<hbm>> -> memref<512x128xf32, #tpu.memory_space<hbm>>
          tpu.wait_dma2 semaphore(%run_scoped3A : memref<!tpu.dma_semaphore, #tpu.memory_space<semaphore_mem>>) src(%arg6 : memref<512x128xf32, #tpu.memory_space<vmem>>) dst(%dma_wait3A_83 : memref<512x128xf32, #tpu.memory_space<hbm>>)
          tpu.yield
        }) : () -> ()
      } else {
      }
    }
    %scan3A_5 = arith.constant 98 : i32
    return
  }
}

module attributes {stable_mosaic.version = 14 : i64} {
  func.func @_tc_attn_body(%arg0: i32, %arg1: memref<16x400x128xf32, #tpu.memory_space<vmem>>, %arg2: memref<400x128xf32, #tpu.memory_space<vmem>>, %arg3: memref<64x64xf32, #tpu.memory_space<vmem>>, %arg4: memref<64x64xf32, #tpu.memory_space<vmem>>, %arg5: memref<64x64xf32, #tpu.memory_space<vmem>>, %arg6: memref<1024x64xf32, #tpu.memory_space<vmem>>, %arg7: memref<64xf32, #tpu.memory_space<vmem>>, %arg8: memref<64x64xf32, #tpu.memory_space<vmem>>, %arg9: memref<64xf32, #tpu.memory_space<vmem>>, %arg10: memref<64x64xf32, #tpu.memory_space<vmem>>, %arg11: memref<64xf32, #tpu.memory_space<vmem>>, %arg12: memref<64xf32, #tpu.memory_space<vmem>>, %arg13: memref<64xf32, #tpu.memory_space<vmem>>, %arg14: memref<64x64xf32, #tpu.memory_space<vmem>>, %arg15: memref<96x96xf32, #tpu.memory_space<vmem>>, %arg16: memref<576x16xf32, #tpu.memory_space<vmem>>, %arg17: memref<36x16xf32, #tpu.memory_space<vmem>>, %arg18: memref<64x64xf32, #tpu.memory_space<vmem>>, %arg19: memref<48x48xf32, #tpu.memory_space<vmem>>, %arg20: memref<48x64xf32, #tpu.memory_space<vmem>>, %arg21: memref<64x64xf32, #tpu.memory_space<vmem>>, %arg22: memref<64x64xf32, #tpu.memory_space<vmem>>, %arg23: memref<400x64xf32, #tpu.memory_space<vmem>>) attributes {dimension_semantics = [#tpu.dimension_semantics<arbitrary>], iteration_bounds = array<i64: 250>, scalar_prefetch = 0 : i64, scratch_operands = 0 : i64, tpu.core_type = #tpu.core_type<tc>, window_params = [{transform_indices = @transform_0, window_bounds = array<i64: 16, 400, 128>}, {transform_indices = @transform_1, window_bounds = array<i64: 400, 128>}, {pipeline_mode = #tpu.pipeline_mode<synchronous>, transform_indices = @transform_2, window_bounds = array<i64: 64, 64>}, {pipeline_mode = #tpu.pipeline_mode<synchronous>, transform_indices = @transform_3, window_bounds = array<i64: 64, 64>}, {pipeline_mode = #tpu.pipeline_mode<synchronous>, transform_indices = @transform_4, window_bounds = array<i64: 64, 64>}, {pipeline_mode = #tpu.pipeline_mode<synchronous>, transform_indices = @transform_5, window_bounds = array<i64: 1024, 64>}, {pipeline_mode = #tpu.pipeline_mode<synchronous>, transform_indices = @transform_6, window_bounds = array<i64: 64>}, {pipeline_mode = #tpu.pipeline_mode<synchronous>, transform_indices = @transform_7, window_bounds = array<i64: 64, 64>}, {pipeline_mode = #tpu.pipeline_mode<synchronous>, transform_indices = @transform_8, window_bounds = array<i64: 64>}, {pipeline_mode = #tpu.pipeline_mode<synchronous>, transform_indices = @transform_9, window_bounds = array<i64: 64, 64>}, {pipeline_mode = #tpu.pipeline_mode<synchronous>, transform_indices = @transform_10, window_bounds = array<i64: 64>}, {pipeline_mode = #tpu.pipeline_mode<synchronous>, transform_indices = @transform_11, window_bounds = array<i64: 64>}, {pipeline_mode = #tpu.pipeline_mode<synchronous>, transform_indices = @transform_12, window_bounds = array<i64: 64>}, {pipeline_mode = #tpu.pipeline_mode<synchronous>, transform_indices = @transform_13, window_bounds = array<i64: 64, 64>}, {pipeline_mode = #tpu.pipeline_mode<synchronous>, transform_indices = @transform_14, window_bounds = array<i64: 96, 96>}, {pipeline_mode = #tpu.pipeline_mode<synchronous>, transform_indices = @transform_15, window_bounds = array<i64: 576, 16>}, {pipeline_mode = #tpu.pipeline_mode<synchronous>, transform_indices = @transform_16, window_bounds = array<i64: 36, 16>}, {pipeline_mode = #tpu.pipeline_mode<synchronous>, transform_indices = @transform_17, window_bounds = array<i64: 64, 64>}, {pipeline_mode = #tpu.pipeline_mode<synchronous>, transform_indices = @transform_18, window_bounds = array<i64: 48, 48>}, {pipeline_mode = #tpu.pipeline_mode<synchronous>, transform_indices = @transform_19, window_bounds = array<i64: 48, 64>}, {pipeline_mode = #tpu.pipeline_mode<synchronous>, transform_indices = @transform_20, window_bounds = array<i64: 64, 64>}, {pipeline_mode = #tpu.pipeline_mode<synchronous>, transform_indices = @transform_21, window_bounds = array<i64: 64, 64>}, {transform_indices = @transform_22, window_bounds = array<i64: 400, 64>}]} {
    %get3A = arith.constant 0 : index
    %get3A_0 = arith.constant 0 : index
    %get3A_1 = vector.load %arg2[%get3A, %get3A_0] : memref<400x128xf32, #tpu.memory_space<vmem>>, vector<400x128xf32>
    %slice3A = vector.extract_strided_slice %get3A_1 {offsets = [0, 0], sizes = [400, 64], strides = [1, 1]} : vector<400x128xf32> to vector<400x64xf32>
    %get3A_2 = arith.constant 0 : index
    %get3A_3 = arith.constant 0 : index
    %get3A_4 = vector.load %arg3[%get3A_2, %get3A_3] : memref<64x64xf32, #tpu.memory_space<vmem>>, vector<64x64xf32>
    %get3A_5 = arith.constant 0 : index
    %get3A_6 = arith.constant 0 : index
    %get3A_7 = vector.load %arg4[%get3A_5, %get3A_6] : memref<64x64xf32, #tpu.memory_space<vmem>>, vector<64x64xf32>
    %get3A_8 = arith.constant 0 : index
    %get3A_9 = arith.constant 0 : index
    %get3A_10 = vector.load %arg5[%get3A_8, %get3A_9] : memref<64x64xf32, #tpu.memory_space<vmem>>, vector<64x64xf32>
    %get3A_11 = arith.constant 0 : index
    %get3A_12 = vector.load %arg7[%get3A_11] : memref<64xf32, #tpu.memory_space<vmem>>, vector<64xf32>
    %broadcast_in_dim3A = vector.shape_cast %get3A_12 : vector<64xf32> to vector<1x64xf32>
    %get3A_13 = arith.constant 0 : index
    %get3A_14 = arith.constant 0 : index
    %get3A_15 = vector.load %arg8[%get3A_13, %get3A_14] : memref<64x64xf32, #tpu.memory_space<vmem>>, vector<64x64xf32>
    %get3A_16 = arith.constant 0 : index
    %get3A_17 = vector.load %arg9[%get3A_16] : memref<64xf32, #tpu.memory_space<vmem>>, vector<64xf32>
    %broadcast_in_dim3A_18 = vector.shape_cast %get3A_17 : vector<64xf32> to vector<1x64xf32>
    %get3A_19 = arith.constant 0 : index
    %get3A_20 = arith.constant 0 : index
    %get3A_21 = vector.load %arg14[%get3A_19, %get3A_20] : memref<64x64xf32, #tpu.memory_space<vmem>>, vector<64x64xf32>
    %dot_general3A = arith.constant dense<0.000000e+00> : vector<400x64xf32>
    %dot_general3A_22 = tpu.matmul %slice3A, %get3A_4, %dot_general3A {dimension_numbers = #tpu.dot_dimension_numbers<[1], [0], [0], [1], [0, 0, 1, 1], [], []>, transpose_lhs_hint = false} : vector<400x64xf32>, vector<64x64xf32>, vector<400x64xf32> -> vector<400x64xf32>
    %get3A_23 = arith.constant 0 : index
    %get3A_24 = arith.constant 0 : index
    %get3A_25 = arith.constant 0 : index
    %get3A_26 = vector.load %arg1[%get3A_23, %get3A_24, %get3A_25] : memref<16x400x128xf32, #tpu.memory_space<vmem>>, vector<1x400x128xf32>
    %get3A_27 = vector.shape_cast %get3A_26 : vector<1x400x128xf32> to vector<400x128xf32>
    %slice3A_28 = vector.extract_strided_slice %get3A_27 {offsets = [0, 0], sizes = [400, 64], strides = [1, 1]} : vector<400x128xf32> to vector<400x64xf32>
    %dot_general3A_29 = arith.constant dense<0.000000e+00> : vector<400x64xf32>
    %dot_general3A_30 = tpu.matmul %slice3A_28, %get3A_7, %dot_general3A_29 {dimension_numbers = #tpu.dot_dimension_numbers<[1], [0], [0], [1], [0, 0, 1, 1], [], []>, transpose_lhs_hint = false} : vector<400x64xf32>, vector<64x64xf32>, vector<400x64xf32> -> vector<400x64xf32>
    %get3A_31 = arith.constant 1 : index
    %get3A_32 = arith.constant 0 : index
    %get3A_33 = arith.constant 0 : index
    %get3A_34 = vector.load %arg1[%get3A_31, %get3A_32, %get3A_33] : memref<16x400x128xf32, #tpu.memory_space<vmem>>, vector<1x400x128xf32>
    %get3A_35 = vector.shape_cast %get3A_34 : vector<1x400x128xf32> to vector<400x128xf32>
    %slice3A_36 = vector.extract_strided_slice %get3A_35 {offsets = [0, 0], sizes = [400, 64], strides = [1, 1]} : vector<400x128xf32> to vector<400x64xf32>
    %dot_general3A_37 = arith.constant dense<0.000000e+00> : vector<400x64xf32>
    %dot_general3A_38 = tpu.matmul %slice3A_36, %get3A_7, %dot_general3A_37 {dimension_numbers = #tpu.dot_dimension_numbers<[1], [0], [0], [1], [0, 0, 1, 1], [], []>, transpose_lhs_hint = false} : vector<400x64xf32>, vector<64x64xf32>, vector<400x64xf32> -> vector<400x64xf32>
    %get3A_39 = arith.constant 2 : index
    %get3A_40 = arith.constant 0 : index
    %get3A_41 = arith.constant 0 : index
    %get3A_42 = vector.load %arg1[%get3A_39, %get3A_40, %get3A_41] : memref<16x400x128xf32, #tpu.memory_space<vmem>>, vector<1x400x128xf32>
    %get3A_43 = vector.shape_cast %get3A_42 : vector<1x400x128xf32> to vector<400x128xf32>
    %slice3A_44 = vector.extract_strided_slice %get3A_43 {offsets = [0, 0], sizes = [400, 64], strides = [1, 1]} : vector<400x128xf32> to vector<400x64xf32>
    %dot_general3A_45 = arith.constant dense<0.000000e+00> : vector<400x64xf32>
    %dot_general3A_46 = tpu.matmul %slice3A_44, %get3A_7, %dot_general3A_45 {dimension_numbers = #tpu.dot_dimension_numbers<[1], [0], [0], [1], [0, 0, 1, 1], [], []>, transpose_lhs_hint = false} : vector<400x64xf32>, vector<64x64xf32>, vector<400x64xf32> -> vector<400x64xf32>
    %get3A_47 = arith.constant 3 : index
    %get3A_48 = arith.constant 0 : index
    %get3A_49 = arith.constant 0 : index
    %get3A_50 = vector.load %arg1[%get3A_47, %get3A_48, %get3A_49] : memref<16x400x128xf32, #tpu.memory_space<vmem>>, vector<1x400x128xf32>
    %get3A_51 = vector.shape_cast %get3A_50 : vector<1x400x128xf32> to vector<400x128xf32>
    %slice3A_52 = vector.extract_strided_slice %get3A_51 {offsets = [0, 0], sizes = [400, 64], strides = [1, 1]} : vector<400x128xf32> to vector<400x64xf32>
    %dot_general3A_53 = arith.constant dense<0.000000e+00> : vector<400x64xf32>
    %dot_general3A_54 = tpu.matmul %slice3A_52, %get3A_7, %dot_general3A_53 {dimension_numbers = #tpu.dot_dimension_numbers<[1], [0], [0], [1], [0, 0, 1, 1], [], []>, transpose_lhs_hint = false} : vector<400x64xf32>, vector<64x64xf32>, vector<400x64xf32> -> vector<400x64xf32>
    %get3A_55 = arith.constant 4 : index
    %get3A_56 = arith.constant 0 : index
    %get3A_57 = arith.constant 0 : index
    %get3A_58 = vector.load %arg1[%get3A_55, %get3A_56, %get3A_57] : memref<16x400x128xf32, #tpu.memory_space<vmem>>, vector<1x400x128xf32>
    %get3A_59 = vector.shape_cast %get3A_58 : vector<1x400x128xf32> to vector<400x128xf32>
    %slice3A_60 = vector.extract_strided_slice %get3A_59 {offsets = [0, 0], sizes = [400, 64], strides = [1, 1]} : vector<400x128xf32> to vector<400x64xf32>
    %dot_general3A_61 = arith.constant dense<0.000000e+00> : vector<400x64xf32>
    %dot_general3A_62 = tpu.matmul %slice3A_60, %get3A_7, %dot_general3A_61 {dimension_numbers = #tpu.dot_dimension_numbers<[1], [0], [0], [1], [0, 0, 1, 1], [], []>, transpose_lhs_hint = false} : vector<400x64xf32>, vector<64x64xf32>, vector<400x64xf32> -> vector<400x64xf32>
    %get3A_63 = arith.constant 5 : index
    %get3A_64 = arith.constant 0 : index
    %get3A_65 = arith.constant 0 : index
    %get3A_66 = vector.load %arg1[%get3A_63, %get3A_64, %get3A_65] : memref<16x400x128xf32, #tpu.memory_space<vmem>>, vector<1x400x128xf32>
    %get3A_67 = vector.shape_cast %get3A_66 : vector<1x400x128xf32> to vector<400x128xf32>
    %slice3A_68 = vector.extract_strided_slice %get3A_67 {offsets = [0, 0], sizes = [400, 64], strides = [1, 1]} : vector<400x128xf32> to vector<400x64xf32>
    %dot_general3A_69 = arith.constant dense<0.000000e+00> : vector<400x64xf32>
    %dot_general3A_70 = tpu.matmul %slice3A_68, %get3A_7, %dot_general3A_69 {dimension_numbers = #tpu.dot_dimension_numbers<[1], [0], [0], [1], [0, 0, 1, 1], [], []>, transpose_lhs_hint = false} : vector<400x64xf32>, vector<64x64xf32>, vector<400x64xf32> -> vector<400x64xf32>
    %get3A_71 = arith.constant 6 : index
    %get3A_72 = arith.constant 0 : index
    %get3A_73 = arith.constant 0 : index
    %get3A_74 = vector.load %arg1[%get3A_71, %get3A_72, %get3A_73] : memref<16x400x128xf32, #tpu.memory_space<vmem>>, vector<1x400x128xf32>
    %get3A_75 = vector.shape_cast %get3A_74 : vector<1x400x128xf32> to vector<400x128xf32>
    %slice3A_76 = vector.extract_strided_slice %get3A_75 {offsets = [0, 0], sizes = [400, 64], strides = [1, 1]} : vector<400x128xf32> to vector<400x64xf32>
    %dot_general3A_77 = arith.constant dense<0.000000e+00> : vector<400x64xf32>
    %dot_general3A_78 = tpu.matmul %slice3A_76, %get3A_7, %dot_general3A_77 {dimension_numbers = #tpu.dot_dimension_numbers<[1], [0], [0], [1], [0, 0, 1, 1], [], []>, transpose_lhs_hint = false} : vector<400x64xf32>, vector<64x64xf32>, vector<400x64xf32> -> vector<400x64xf32>
    %get3A_79 = arith.constant 7 : index
    %get3A_80 = arith.constant 0 : index
    %get3A_81 = arith.constant 0 : index
    %get3A_82 = vector.load %arg1[%get3A_79, %get3A_80, %get3A_81] : memref<16x400x128xf32, #tpu.memory_space<vmem>>, vector<1x400x128xf32>
    %get3A_83 = vector.shape_cast %get3A_82 : vector<1x400x128xf32> to vector<400x128xf32>
    %slice3A_84 = vector.extract_strided_slice %get3A_83 {offsets = [0, 0], sizes = [400, 64], strides = [1, 1]} : vector<400x128xf32> to vector<400x64xf32>
    %dot_general3A_85 = arith.constant dense<0.000000e+00> : vector<400x64xf32>
    %dot_general3A_86 = tpu.matmul %slice3A_84, %get3A_7, %dot_general3A_85 {dimension_numbers = #tpu.dot_dimension_numbers<[1], [0], [0], [1], [0, 0, 1, 1], [], []>, transpose_lhs_hint = false} : vector<400x64xf32>, vector<64x64xf32>, vector<400x64xf32> -> vector<400x64xf32>
    %get3A_87 = arith.constant 8 : index
    %get3A_88 = arith.constant 0 : index
    %get3A_89 = arith.constant 0 : index
    %get3A_90 = vector.load %arg1[%get3A_87, %get3A_88, %get3A_89] : memref<16x400x128xf32, #tpu.memory_space<vmem>>, vector<1x400x128xf32>
    %get3A_91 = vector.shape_cast %get3A_90 : vector<1x400x128xf32> to vector<400x128xf32>
    %slice3A_92 = vector.extract_strided_slice %get3A_91 {offsets = [0, 0], sizes = [400, 64], strides = [1, 1]} : vector<400x128xf32> to vector<400x64xf32>
    %dot_general3A_93 = arith.constant dense<0.000000e+00> : vector<400x64xf32>
    %dot_general3A_94 = tpu.matmul %slice3A_92, %get3A_7, %dot_general3A_93 {dimension_numbers = #tpu.dot_dimension_numbers<[1], [0], [0], [1], [0, 0, 1, 1], [], []>, transpose_lhs_hint = false} : vector<400x64xf32>, vector<64x64xf32>, vector<400x64xf32> -> vector<400x64xf32>
    %get3A_95 = arith.constant 9 : index
    %get3A_96 = arith.constant 0 : index
    %get3A_97 = arith.constant 0 : index
    %get3A_98 = vector.load %arg1[%get3A_95, %get3A_96, %get3A_97] : memref<16x400x128xf32, #tpu.memory_space<vmem>>, vector<1x400x128xf32>
    %get3A_99 = vector.shape_cast %get3A_98 : vector<1x400x128xf32> to vector<400x128xf32>
    %slice3A_100 = vector.extract_strided_slice %get3A_99 {offsets = [0, 0], sizes = [400, 64], strides = [1, 1]} : vector<400x128xf32> to vector<400x64xf32>
    %dot_general3A_101 = arith.constant dense<0.000000e+00> : vector<400x64xf32>
    %dot_general3A_102 = tpu.matmul %slice3A_100, %get3A_7, %dot_general3A_101 {dimension_numbers = #tpu.dot_dimension_numbers<[1], [0], [0], [1], [0, 0, 1, 1], [], []>, transpose_lhs_hint = false} : vector<400x64xf32>, vector<64x64xf32>, vector<400x64xf32> -> vector<400x64xf32>
    %get3A_103 = arith.constant 10 : index
    %get3A_104 = arith.constant 0 : index
    %get3A_105 = arith.constant 0 : index
    %get3A_106 = vector.load %arg1[%get3A_103, %get3A_104, %get3A_105] : memref<16x400x128xf32, #tpu.memory_space<vmem>>, vector<1x400x128xf32>
    %get3A_107 = vector.shape_cast %get3A_106 : vector<1x400x128xf32> to vector<400x128xf32>
    %slice3A_108 = vector.extract_strided_slice %get3A_107 {offsets = [0, 0], sizes = [400, 64], strides = [1, 1]} : vector<400x128xf32> to vector<400x64xf32>
    %dot_general3A_109 = arith.constant dense<0.000000e+00> : vector<400x64xf32>
    %dot_general3A_110 = tpu.matmul %slice3A_108, %get3A_7, %dot_general3A_109 {dimension_numbers = #tpu.dot_dimension_numbers<[1], [0], [0], [1], [0, 0, 1, 1], [], []>, transpose_lhs_hint = false} : vector<400x64xf32>, vector<64x64xf32>, vector<400x64xf32> -> vector<400x64xf32>
    %get3A_111 = arith.constant 11 : index
    %get3A_112 = arith.constant 0 : index
    %get3A_113 = arith.constant 0 : index
    %get3A_114 = vector.load %arg1[%get3A_111, %get3A_112, %get3A_113] : memref<16x400x128xf32, #tpu.memory_space<vmem>>, vector<1x400x128xf32>
    %get3A_115 = vector.shape_cast %get3A_114 : vector<1x400x128xf32> to vector<400x128xf32>
    %slice3A_116 = vector.extract_strided_slice %get3A_115 {offsets = [0, 0], sizes = [400, 64], strides = [1, 1]} : vector<400x128xf32> to vector<400x64xf32>
    %dot_general3A_117 = arith.constant dense<0.000000e+00> : vector<400x64xf32>
    %dot_general3A_118 = tpu.matmul %slice3A_116, %get3A_7, %dot_general3A_117 {dimension_numbers = #tpu.dot_dimension_numbers<[1], [0], [0], [1], [0, 0, 1, 1], [], []>, transpose_lhs_hint = false} : vector<400x64xf32>, vector<64x64xf32>, vector<400x64xf32> -> vector<400x64xf32>
    %get3A_119 = arith.constant 12 : index
    %get3A_120 = arith.constant 0 : index
    %get3A_121 = arith.constant 0 : index
    %get3A_122 = vector.load %arg1[%get3A_119, %get3A_120, %get3A_121] : memref<16x400x128xf32, #tpu.memory_space<vmem>>, vector<1x400x128xf32>
    %get3A_123 = vector.shape_cast %get3A_122 : vector<1x400x128xf32> to vector<400x128xf32>
    %slice3A_124 = vector.extract_strided_slice %get3A_123 {offsets = [0, 0], sizes = [400, 64], strides = [1, 1]} : vector<400x128xf32> to vector<400x64xf32>
    %dot_general3A_125 = arith.constant dense<0.000000e+00> : vector<400x64xf32>
    %dot_general3A_126 = tpu.matmul %slice3A_124, %get3A_7, %dot_general3A_125 {dimension_numbers = #tpu.dot_dimension_numbers<[1], [0], [0], [1], [0, 0, 1, 1], [], []>, transpose_lhs_hint = false} : vector<400x64xf32>, vector<64x64xf32>, vector<400x64xf32> -> vector<400x64xf32>
    %get3A_127 = arith.constant 13 : index
    %get3A_128 = arith.constant 0 : index
    %get3A_129 = arith.constant 0 : index
    %get3A_130 = vector.load %arg1[%get3A_127, %get3A_128, %get3A_129] : memref<16x400x128xf32, #tpu.memory_space<vmem>>, vector<1x400x128xf32>
    %get3A_131 = vector.shape_cast %get3A_130 : vector<1x400x128xf32> to vector<400x128xf32>
    %slice3A_132 = vector.extract_strided_slice %get3A_131 {offsets = [0, 0], sizes = [400, 64], strides = [1, 1]} : vector<400x128xf32> to vector<400x64xf32>
    %dot_general3A_133 = arith.constant dense<0.000000e+00> : vector<400x64xf32>
    %dot_general3A_134 = tpu.matmul %slice3A_132, %get3A_7, %dot_general3A_133 {dimension_numbers = #tpu.dot_dimension_numbers<[1], [0], [0], [1], [0, 0, 1, 1], [], []>, transpose_lhs_hint = false} : vector<400x64xf32>, vector<64x64xf32>, vector<400x64xf32> -> vector<400x64xf32>
    %get3A_135 = arith.constant 14 : index
    %get3A_136 = arith.constant 0 : index
    %get3A_137 = arith.constant 0 : index
    %get3A_138 = vector.load %arg1[%get3A_135, %get3A_136, %get3A_137] : memref<16x400x128xf32, #tpu.memory_space<vmem>>, vector<1x400x128xf32>
    %get3A_139 = vector.shape_cast %get3A_138 : vector<1x400x128xf32> to vector<400x128xf32>
    %slice3A_140 = vector.extract_strided_slice %get3A_139 {offsets = [0, 0], sizes = [400, 64], strides = [1, 1]} : vector<400x128xf32> to vector<400x64xf32>
    %dot_general3A_141 = arith.constant dense<0.000000e+00> : vector<400x64xf32>
    %dot_general3A_142 = tpu.matmul %slice3A_140, %get3A_7, %dot_general3A_141 {dimension_numbers = #tpu.dot_dimension_numbers<[1], [0], [0], [1], [0, 0, 1, 1], [], []>, transpose_lhs_hint = false} : vector<400x64xf32>, vector<64x64xf32>, vector<400x64xf32> -> vector<400x64xf32>
    %get3A_143 = arith.constant 15 : index
    %get3A_144 = arith.constant 0 : index
    %get3A_145 = arith.constant 0 : index
    %get3A_146 = vector.load %arg1[%get3A_143, %get3A_144, %get3A_145] : memref<16x400x128xf32, #tpu.memory_space<vmem>>, vector<1x400x128xf32>
    %get3A_147 = vector.shape_cast %get3A_146 : vector<1x400x128xf32> to vector<400x128xf32>
    %slice3A_148 = vector.extract_strided_slice %get3A_147 {offsets = [0, 0], sizes = [400, 64], strides = [1, 1]} : vector<400x128xf32> to vector<400x64xf32>
    %dot_general3A_149 = arith.constant dense<0.000000e+00> : vector<400x64xf32>
    %dot_general3A_150 = tpu.matmul %slice3A_148, %get3A_7, %dot_general3A_149 {dimension_numbers = #tpu.dot_dimension_numbers<[1], [0], [0], [1], [0, 0, 1, 1], [], []>, transpose_lhs_hint = false} : vector<400x64xf32>, vector<64x64xf32>, vector<400x64xf32> -> vector<400x64xf32>
    %get3A_151 = arith.constant 0 : index
    %get3A_152 = arith.constant 0 : index
    %get3A_153 = arith.constant 0 : index
    %get3A_154 = vector.load %arg1[%get3A_151, %get3A_152, %get3A_153] : memref<16x400x128xf32, #tpu.memory_space<vmem>>, vector<1x400x128xf32>
    %get3A_155 = vector.shape_cast %get3A_154 : vector<1x400x128xf32> to vector<400x128xf32>
    %slice3A_156 = vector.extract_strided_slice %get3A_155 {offsets = [0, 0], sizes = [400, 64], strides = [1, 1]} : vector<400x128xf32> to vector<400x64xf32>
    %dot_general3A_157 = arith.constant dense<0.000000e+00> : vector<400x64xf32>
    %dot_general3A_158 = tpu.matmul %slice3A_156, %get3A_10, %dot_general3A_157 {dimension_numbers = #tpu.dot_dimension_numbers<[1], [0], [0], [1], [0, 0, 1, 1], [], []>, transpose_lhs_hint = false} : vector<400x64xf32>, vector<64x64xf32>, vector<400x64xf32> -> vector<400x64xf32>
    %get3A_159 = arith.constant 1 : index
    %get3A_160 = arith.constant 0 : index
    %get3A_161 = arith.constant 0 : index
    %get3A_162 = vector.load %arg1[%get3A_159, %get3A_160, %get3A_161] : memref<16x400x128xf32, #tpu.memory_space<vmem>>, vector<1x400x128xf32>
    %get3A_163 = vector.shape_cast %get3A_162 : vector<1x400x128xf32> to vector<400x128xf32>
    %slice3A_164 = vector.extract_strided_slice %get3A_163 {offsets = [0, 0], sizes = [400, 64], strides = [1, 1]} : vector<400x128xf32> to vector<400x64xf32>
    %dot_general3A_165 = arith.constant dense<0.000000e+00> : vector<400x64xf32>
    %dot_general3A_166 = tpu.matmul %slice3A_164, %get3A_10, %dot_general3A_165 {dimension_numbers = #tpu.dot_dimension_numbers<[1], [0], [0], [1], [0, 0, 1, 1], [], []>, transpose_lhs_hint = false} : vector<400x64xf32>, vector<64x64xf32>, vector<400x64xf32> -> vector<400x64xf32>
    %get3A_167 = arith.constant 2 : index
    %get3A_168 = arith.constant 0 : index
    %get3A_169 = arith.constant 0 : index
    %get3A_170 = vector.load %arg1[%get3A_167, %get3A_168, %get3A_169] : memref<16x400x128xf32, #tpu.memory_space<vmem>>, vector<1x400x128xf32>
    %get3A_171 = vector.shape_cast %get3A_170 : vector<1x400x128xf32> to vector<400x128xf32>
    %slice3A_172 = vector.extract_strided_slice %get3A_171 {offsets = [0, 0], sizes = [400, 64], strides = [1, 1]} : vector<400x128xf32> to vector<400x64xf32>
    %dot_general3A_173 = arith.constant dense<0.000000e+00> : vector<400x64xf32>
    %dot_general3A_174 = tpu.matmul %slice3A_172, %get3A_10, %dot_general3A_173 {dimension_numbers = #tpu.dot_dimension_numbers<[1], [0], [0], [1], [0, 0, 1, 1], [], []>, transpose_lhs_hint = false} : vector<400x64xf32>, vector<64x64xf32>, vector<400x64xf32> -> vector<400x64xf32>
    %get3A_175 = arith.constant 3 : index
    %get3A_176 = arith.constant 0 : index
    %get3A_177 = arith.constant 0 : index
    %get3A_178 = vector.load %arg1[%get3A_175, %get3A_176, %get3A_177] : memref<16x400x128xf32, #tpu.memory_space<vmem>>, vector<1x400x128xf32>
    %get3A_179 = vector.shape_cast %get3A_178 : vector<1x400x128xf32> to vector<400x128xf32>
    %slice3A_180 = vector.extract_strided_slice %get3A_179 {offsets = [0, 0], sizes = [400, 64], strides = [1, 1]} : vector<400x128xf32> to vector<400x64xf32>
    %dot_general3A_181 = arith.constant dense<0.000000e+00> : vector<400x64xf32>
    %dot_general3A_182 = tpu.matmul %slice3A_180, %get3A_10, %dot_general3A_181 {dimension_numbers = #tpu.dot_dimension_numbers<[1], [0], [0], [1], [0, 0, 1, 1], [], []>, transpose_lhs_hint = false} : vector<400x64xf32>, vector<64x64xf32>, vector<400x64xf32> -> vector<400x64xf32>
    %get3A_183 = arith.constant 4 : index
    %get3A_184 = arith.constant 0 : index
    %get3A_185 = arith.constant 0 : index
    %get3A_186 = vector.load %arg1[%get3A_183, %get3A_184, %get3A_185] : memref<16x400x128xf32, #tpu.memory_space<vmem>>, vector<1x400x128xf32>
    %get3A_187 = vector.shape_cast %get3A_186 : vector<1x400x128xf32> to vector<400x128xf32>
    %slice3A_188 = vector.extract_strided_slice %get3A_187 {offsets = [0, 0], sizes = [400, 64], strides = [1, 1]} : vector<400x128xf32> to vector<400x64xf32>
    %dot_general3A_189 = arith.constant dense<0.000000e+00> : vector<400x64xf32>
    %dot_general3A_190 = tpu.matmul %slice3A_188, %get3A_10, %dot_general3A_189 {dimension_numbers = #tpu.dot_dimension_numbers<[1], [0], [0], [1], [0, 0, 1, 1], [], []>, transpose_lhs_hint = false} : vector<400x64xf32>, vector<64x64xf32>, vector<400x64xf32> -> vector<400x64xf32>
    %get3A_191 = arith.constant 5 : index
    %get3A_192 = arith.constant 0 : index
    %get3A_193 = arith.constant 0 : index
    %get3A_194 = vector.load %arg1[%get3A_191, %get3A_192, %get3A_193] : memref<16x400x128xf32, #tpu.memory_space<vmem>>, vector<1x400x128xf32>
    %get3A_195 = vector.shape_cast %get3A_194 : vector<1x400x128xf32> to vector<400x128xf32>
    %slice3A_196 = vector.extract_strided_slice %get3A_195 {offsets = [0, 0], sizes = [400, 64], strides = [1, 1]} : vector<400x128xf32> to vector<400x64xf32>
    %dot_general3A_197 = arith.constant dense<0.000000e+00> : vector<400x64xf32>
    %dot_general3A_198 = tpu.matmul %slice3A_196, %get3A_10, %dot_general3A_197 {dimension_numbers = #tpu.dot_dimension_numbers<[1], [0], [0], [1], [0, 0, 1, 1], [], []>, transpose_lhs_hint = false} : vector<400x64xf32>, vector<64x64xf32>, vector<400x64xf32> -> vector<400x64xf32>
    %get3A_199 = arith.constant 6 : index
    %get3A_200 = arith.constant 0 : index
    %get3A_201 = arith.constant 0 : index
    %get3A_202 = vector.load %arg1[%get3A_199, %get3A_200, %get3A_201] : memref<16x400x128xf32, #tpu.memory_space<vmem>>, vector<1x400x128xf32>
    %get3A_203 = vector.shape_cast %get3A_202 : vector<1x400x128xf32> to vector<400x128xf32>
    %slice3A_204 = vector.extract_strided_slice %get3A_203 {offsets = [0, 0], sizes = [400, 64], strides = [1, 1]} : vector<400x128xf32> to vector<400x64xf32>
    %dot_general3A_205 = arith.constant dense<0.000000e+00> : vector<400x64xf32>
    %dot_general3A_206 = tpu.matmul %slice3A_204, %get3A_10, %dot_general3A_205 {dimension_numbers = #tpu.dot_dimension_numbers<[1], [0], [0], [1], [0, 0, 1, 1], [], []>, transpose_lhs_hint = false} : vector<400x64xf32>, vector<64x64xf32>, vector<400x64xf32> -> vector<400x64xf32>
    %get3A_207 = arith.constant 7 : index
    %get3A_208 = arith.constant 0 : index
    %get3A_209 = arith.constant 0 : index
    %get3A_210 = vector.load %arg1[%get3A_207, %get3A_208, %get3A_209] : memref<16x400x128xf32, #tpu.memory_space<vmem>>, vector<1x400x128xf32>
    %get3A_211 = vector.shape_cast %get3A_210 : vector<1x400x128xf32> to vector<400x128xf32>
    %slice3A_212 = vector.extract_strided_slice %get3A_211 {offsets = [0, 0], sizes = [400, 64], strides = [1, 1]} : vector<400x128xf32> to vector<400x64xf32>
    %dot_general3A_213 = arith.constant dense<0.000000e+00> : vector<400x64xf32>
    %dot_general3A_214 = tpu.matmul %slice3A_212, %get3A_10, %dot_general3A_213 {dimension_numbers = #tpu.dot_dimension_numbers<[1], [0], [0], [1], [0, 0, 1, 1], [], []>, transpose_lhs_hint = false} : vector<400x64xf32>, vector<64x64xf32>, vector<400x64xf32> -> vector<400x64xf32>
    %get3A_215 = arith.constant 8 : index
    %get3A_216 = arith.constant 0 : index
    %get3A_217 = arith.constant 0 : index
    %get3A_218 = vector.load %arg1[%get3A_215, %get3A_216, %get3A_217] : memref<16x400x128xf32, #tpu.memory_space<vmem>>, vector<1x400x128xf32>
    %get3A_219 = vector.shape_cast %get3A_218 : vector<1x400x128xf32> to vector<400x128xf32>
    %slice3A_220 = vector.extract_strided_slice %get3A_219 {offsets = [0, 0], sizes = [400, 64], strides = [1, 1]} : vector<400x128xf32> to vector<400x64xf32>
    %dot_general3A_221 = arith.constant dense<0.000000e+00> : vector<400x64xf32>
    %dot_general3A_222 = tpu.matmul %slice3A_220, %get3A_10, %dot_general3A_221 {dimension_numbers = #tpu.dot_dimension_numbers<[1], [0], [0], [1], [0, 0, 1, 1], [], []>, transpose_lhs_hint = false} : vector<400x64xf32>, vector<64x64xf32>, vector<400x64xf32> -> vector<400x64xf32>
    %get3A_223 = arith.constant 9 : index
    %get3A_224 = arith.constant 0 : index
    %get3A_225 = arith.constant 0 : index
    %get3A_226 = vector.load %arg1[%get3A_223, %get3A_224, %get3A_225] : memref<16x400x128xf32, #tpu.memory_space<vmem>>, vector<1x400x128xf32>
    %get3A_227 = vector.shape_cast %get3A_226 : vector<1x400x128xf32> to vector<400x128xf32>
    %slice3A_228 = vector.extract_strided_slice %get3A_227 {offsets = [0, 0], sizes = [400, 64], strides = [1, 1]} : vector<400x128xf32> to vector<400x64xf32>
    %dot_general3A_229 = arith.constant dense<0.000000e+00> : vector<400x64xf32>
    %dot_general3A_230 = tpu.matmul %slice3A_228, %get3A_10, %dot_general3A_229 {dimension_numbers = #tpu.dot_dimension_numbers<[1], [0], [0], [1], [0, 0, 1, 1], [], []>, transpose_lhs_hint = false} : vector<400x64xf32>, vector<64x64xf32>, vector<400x64xf32> -> vector<400x64xf32>
    %get3A_231 = arith.constant 10 : index
    %get3A_232 = arith.constant 0 : index
    %get3A_233 = arith.constant 0 : index
    %get3A_234 = vector.load %arg1[%get3A_231, %get3A_232, %get3A_233] : memref<16x400x128xf32, #tpu.memory_space<vmem>>, vector<1x400x128xf32>
    %get3A_235 = vector.shape_cast %get3A_234 : vector<1x400x128xf32> to vector<400x128xf32>
    %slice3A_236 = vector.extract_strided_slice %get3A_235 {offsets = [0, 0], sizes = [400, 64], strides = [1, 1]} : vector<400x128xf32> to vector<400x64xf32>
    %dot_general3A_237 = arith.constant dense<0.000000e+00> : vector<400x64xf32>
    %dot_general3A_238 = tpu.matmul %slice3A_236, %get3A_10, %dot_general3A_237 {dimension_numbers = #tpu.dot_dimension_numbers<[1], [0], [0], [1], [0, 0, 1, 1], [], []>, transpose_lhs_hint = false} : vector<400x64xf32>, vector<64x64xf32>, vector<400x64xf32> -> vector<400x64xf32>
    %get3A_239 = arith.constant 11 : index
    %get3A_240 = arith.constant 0 : index
    %get3A_241 = arith.constant 0 : index
    %get3A_242 = vector.load %arg1[%get3A_239, %get3A_240, %get3A_241] : memref<16x400x128xf32, #tpu.memory_space<vmem>>, vector<1x400x128xf32>
    %get3A_243 = vector.shape_cast %get3A_242 : vector<1x400x128xf32> to vector<400x128xf32>
    %slice3A_244 = vector.extract_strided_slice %get3A_243 {offsets = [0, 0], sizes = [400, 64], strides = [1, 1]} : vector<400x128xf32> to vector<400x64xf32>
    %dot_general3A_245 = arith.constant dense<0.000000e+00> : vector<400x64xf32>
    %dot_general3A_246 = tpu.matmul %slice3A_244, %get3A_10, %dot_general3A_245 {dimension_numbers = #tpu.dot_dimension_numbers<[1], [0], [0], [1], [0, 0, 1, 1], [], []>, transpose_lhs_hint = false} : vector<400x64xf32>, vector<64x64xf32>, vector<400x64xf32> -> vector<400x64xf32>
    %get3A_247 = arith.constant 12 : index
    %get3A_248 = arith.constant 0 : index
    %get3A_249 = arith.constant 0 : index
    %get3A_250 = vector.load %arg1[%get3A_247, %get3A_248, %get3A_249] : memref<16x400x128xf32, #tpu.memory_space<vmem>>, vector<1x400x128xf32>
    %get3A_251 = vector.shape_cast %get3A_250 : vector<1x400x128xf32> to vector<400x128xf32>
    %slice3A_252 = vector.extract_strided_slice %get3A_251 {offsets = [0, 0], sizes = [400, 64], strides = [1, 1]} : vector<400x128xf32> to vector<400x64xf32>
    %dot_general3A_253 = arith.constant dense<0.000000e+00> : vector<400x64xf32>
    %dot_general3A_254 = tpu.matmul %slice3A_252, %get3A_10, %dot_general3A_253 {dimension_numbers = #tpu.dot_dimension_numbers<[1], [0], [0], [1], [0, 0, 1, 1], [], []>, transpose_lhs_hint = false} : vector<400x64xf32>, vector<64x64xf32>, vector<400x64xf32> -> vector<400x64xf32>
    %get3A_255 = arith.constant 13 : index
    %get3A_256 = arith.constant 0 : index
    %get3A_257 = arith.constant 0 : index
    %get3A_258 = vector.load %arg1[%get3A_255, %get3A_256, %get3A_257] : memref<16x400x128xf32, #tpu.memory_space<vmem>>, vector<1x400x128xf32>
    %get3A_259 = vector.shape_cast %get3A_258 : vector<1x400x128xf32> to vector<400x128xf32>
    %slice3A_260 = vector.extract_strided_slice %get3A_259 {offsets = [0, 0], sizes = [400, 64], strides = [1, 1]} : vector<400x128xf32> to vector<400x64xf32>
    %dot_general3A_261 = arith.constant dense<0.000000e+00> : vector<400x64xf32>
    %dot_general3A_262 = tpu.matmul %slice3A_260, %get3A_10, %dot_general3A_261 {dimension_numbers = #tpu.dot_dimension_numbers<[1], [0], [0], [1], [0, 0, 1, 1], [], []>, transpose_lhs_hint = false} : vector<400x64xf32>, vector<64x64xf32>, vector<400x64xf32> -> vector<400x64xf32>
    %get3A_263 = arith.constant 14 : index
    %get3A_264 = arith.constant 0 : index
    %get3A_265 = arith.constant 0 : index
    %get3A_266 = vector.load %arg1[%get3A_263, %get3A_264, %get3A_265] : memref<16x400x128xf32, #tpu.memory_space<vmem>>, vector<1x400x128xf32>
    %get3A_267 = vector.shape_cast %get3A_266 : vector<1x400x128xf32> to vector<400x128xf32>
    %slice3A_268 = vector.extract_strided_slice %get3A_267 {offsets = [0, 0], sizes = [400, 64], strides = [1, 1]} : vector<400x128xf32> to vector<400x64xf32>
    %dot_general3A_269 = arith.constant dense<0.000000e+00> : vector<400x64xf32>
    %dot_general3A_270 = tpu.matmul %slice3A_268, %get3A_10, %dot_general3A_269 {dimension_numbers = #tpu.dot_dimension_numbers<[1], [0], [0], [1], [0, 0, 1, 1], [], []>, transpose_lhs_hint = false} : vector<400x64xf32>, vector<64x64xf32>, vector<400x64xf32> -> vector<400x64xf32>
    %get3A_271 = arith.constant 15 : index
    %get3A_272 = arith.constant 0 : index
    %get3A_273 = arith.constant 0 : index
    %get3A_274 = vector.load %arg1[%get3A_271, %get3A_272, %get3A_273] : memref<16x400x128xf32, #tpu.memory_space<vmem>>, vector<1x400x128xf32>
    %get3A_275 = vector.shape_cast %get3A_274 : vector<1x400x128xf32> to vector<400x128xf32>
    %slice3A_276 = vector.extract_strided_slice %get3A_275 {offsets = [0, 0], sizes = [400, 64], strides = [1, 1]} : vector<400x128xf32> to vector<400x64xf32>
    %dot_general3A_277 = arith.constant dense<0.000000e+00> : vector<400x64xf32>
    %dot_general3A_278 = tpu.matmul %slice3A_276, %get3A_10, %dot_general3A_277 {dimension_numbers = #tpu.dot_dimension_numbers<[1], [0], [0], [1], [0, 0, 1, 1], [], []>, transpose_lhs_hint = false} : vector<400x64xf32>, vector<64x64xf32>, vector<400x64xf32> -> vector<400x64xf32>
    %broadcast_in_dim3A_279 = arith.constant 0.000000e+00 : f32
    %broadcast_in_dim3A_280 = vector.broadcast %broadcast_in_dim3A_279 : f32 to vector<400x96xf32>
    %get3A_281 = arith.constant 0 : index
    %get3A_282 = arith.constant 0 : index
    %get3A_283 = arith.constant 0 : index
    %get3A_284 = vector.load %arg1[%get3A_281, %get3A_282, %get3A_283] : memref<16x400x128xf32, #tpu.memory_space<vmem>>, vector<1x400x128xf32>
    %get3A_285 = vector.shape_cast %get3A_284 : vector<1x400x128xf32> to vector<400x128xf32>
    %slice3A_286 = vector.extract_strided_slice %get3A_285 {offsets = [0, 64], sizes = [400, 6], strides = [1, 1]} : vector<400x128xf32> to vector<400x6xf32>
    %get3A_287 = arith.constant 0 : index
    %get3A_288 = arith.constant 0 : index
    %get3A_289 = vector.load %arg15[%get3A_287, %get3A_288] : memref<96x96xf32, #tpu.memory_space<vmem>>, vector<6x96xf32>
    %dot_general3A_290 = arith.constant dense<0.000000e+00> : vector<400x96xf32>
    %dot_general3A_291 = tpu.matmul %slice3A_286, %get3A_289, %dot_general3A_290 {dimension_numbers = #tpu.dot_dimension_numbers<[1], [0], [0], [1], [0, 0, 1, 1], [], []>, transpose_lhs_hint = false} : vector<400x6xf32>, vector<6x96xf32>, vector<400x96xf32> -> vector<400x96xf32>
    %add3A = arith.addf %broadcast_in_dim3A_280, %dot_general3A_291 : vector<400x96xf32>
    %get3A_292 = arith.constant 1 : index
    %get3A_293 = arith.constant 0 : index
    %get3A_294 = arith.constant 0 : index
    %get3A_295 = vector.load %arg1[%get3A_292, %get3A_293, %get3A_294] : memref<16x400x128xf32, #tpu.memory_space<vmem>>, vector<1x400x128xf32>
    %get3A_296 = vector.shape_cast %get3A_295 : vector<1x400x128xf32> to vector<400x128xf32>
    %slice3A_297 = vector.extract_strided_slice %get3A_296 {offsets = [0, 64], sizes = [400, 6], strides = [1, 1]} : vector<400x128xf32> to vector<400x6xf32>
    %get3A_298 = arith.constant 6 : index
    %get3A_299 = arith.constant 0 : index
    %get3A_300 = vector.load %arg15[%get3A_298, %get3A_299] : memref<96x96xf32, #tpu.memory_space<vmem>>, vector<6x96xf32>
    %dot_general3A_301 = arith.constant dense<0.000000e+00> : vector<400x96xf32>
    %dot_general3A_302 = tpu.matmul %slice3A_297, %get3A_300, %dot_general3A_301 {dimension_numbers = #tpu.dot_dimension_numbers<[1], [0], [0], [1], [0, 0, 1, 1], [], []>, transpose_lhs_hint = false} : vector<400x6xf32>, vector<6x96xf32>, vector<400x96xf32> -> vector<400x96xf32>
    %add3A_303 = arith.addf %add3A, %dot_general3A_302 : vector<400x96xf32>
    %get3A_304 = arith.constant 2 : index
    %get3A_305 = arith.constant 0 : index
    %get3A_306 = arith.constant 0 : index
    %get3A_307 = vector.load %arg1[%get3A_304, %get3A_305, %get3A_306] : memref<16x400x128xf32, #tpu.memory_space<vmem>>, vector<1x400x128xf32>
    %get3A_308 = vector.shape_cast %get3A_307 : vector<1x400x128xf32> to vector<400x128xf32>
    %slice3A_309 = vector.extract_strided_slice %get3A_308 {offsets = [0, 64], sizes = [400, 6], strides = [1, 1]} : vector<400x128xf32> to vector<400x6xf32>
    %get3A_310 = arith.constant 12 : index
    %get3A_311 = arith.constant 0 : index
    %get3A_312 = vector.load %arg15[%get3A_310, %get3A_311] : memref<96x96xf32, #tpu.memory_space<vmem>>, vector<6x96xf32>
    %dot_general3A_313 = arith.constant dense<0.000000e+00> : vector<400x96xf32>
    %dot_general3A_314 = tpu.matmul %slice3A_309, %get3A_312, %dot_general3A_313 {dimension_numbers = #tpu.dot_dimension_numbers<[1], [0], [0], [1], [0, 0, 1, 1], [], []>, transpose_lhs_hint = false} : vector<400x6xf32>, vector<6x96xf32>, vector<400x96xf32> -> vector<400x96xf32>
    %add3A_315 = arith.addf %add3A_303, %dot_general3A_314 : vector<400x96xf32>
    %get3A_316 = arith.constant 3 : index
    %get3A_317 = arith.constant 0 : index
    %get3A_318 = arith.constant 0 : index
    %get3A_319 = vector.load %arg1[%get3A_316, %get3A_317, %get3A_318] : memref<16x400x128xf32, #tpu.memory_space<vmem>>, vector<1x400x128xf32>
    %get3A_320 = vector.shape_cast %get3A_319 : vector<1x400x128xf32> to vector<400x128xf32>
    %slice3A_321 = vector.extract_strided_slice %get3A_320 {offsets = [0, 64], sizes = [400, 6], strides = [1, 1]} : vector<400x128xf32> to vector<400x6xf32>
    %get3A_322 = arith.constant 18 : index
    %get3A_323 = arith.constant 0 : index
    %get3A_324 = vector.load %arg15[%get3A_322, %get3A_323] : memref<96x96xf32, #tpu.memory_space<vmem>>, vector<6x96xf32>
    %dot_general3A_325 = arith.constant dense<0.000000e+00> : vector<400x96xf32>
    %dot_general3A_326 = tpu.matmul %slice3A_321, %get3A_324, %dot_general3A_325 {dimension_numbers = #tpu.dot_dimension_numbers<[1], [0], [0], [1], [0, 0, 1, 1], [], []>, transpose_lhs_hint = false} : vector<400x6xf32>, vector<6x96xf32>, vector<400x96xf32> -> vector<400x96xf32>
    %add3A_327 = arith.addf %add3A_315, %dot_general3A_326 : vector<400x96xf32>
    %get3A_328 = arith.constant 4 : index
    %get3A_329 = arith.constant 0 : index
    %get3A_330 = arith.constant 0 : index
    %get3A_331 = vector.load %arg1[%get3A_328, %get3A_329, %get3A_330] : memref<16x400x128xf32, #tpu.memory_space<vmem>>, vector<1x400x128xf32>
    %get3A_332 = vector.shape_cast %get3A_331 : vector<1x400x128xf32> to vector<400x128xf32>
    %slice3A_333 = vector.extract_strided_slice %get3A_332 {offsets = [0, 64], sizes = [400, 6], strides = [1, 1]} : vector<400x128xf32> to vector<400x6xf32>
    %get3A_334 = arith.constant 24 : index
    %get3A_335 = arith.constant 0 : index
    %get3A_336 = vector.load %arg15[%get3A_334, %get3A_335] : memref<96x96xf32, #tpu.memory_space<vmem>>, vector<6x96xf32>
    %dot_general3A_337 = arith.constant dense<0.000000e+00> : vector<400x96xf32>
    %dot_general3A_338 = tpu.matmul %slice3A_333, %get3A_336, %dot_general3A_337 {dimension_numbers = #tpu.dot_dimension_numbers<[1], [0], [0], [1], [0, 0, 1, 1], [], []>, transpose_lhs_hint = false} : vector<400x6xf32>, vector<6x96xf32>, vector<400x96xf32> -> vector<400x96xf32>
    %add3A_339 = arith.addf %add3A_327, %dot_general3A_338 : vector<400x96xf32>
    %get3A_340 = arith.constant 5 : index
    %get3A_341 = arith.constant 0 : index
    %get3A_342 = arith.constant 0 : index
    %get3A_343 = vector.load %arg1[%get3A_340, %get3A_341, %get3A_342] : memref<16x400x128xf32, #tpu.memory_space<vmem>>, vector<1x400x128xf32>
    %get3A_344 = vector.shape_cast %get3A_343 : vector<1x400x128xf32> to vector<400x128xf32>
    %slice3A_345 = vector.extract_strided_slice %get3A_344 {offsets = [0, 64], sizes = [400, 6], strides = [1, 1]} : vector<400x128xf32> to vector<400x6xf32>
    %get3A_346 = arith.constant 30 : index
    %get3A_347 = arith.constant 0 : index
    %get3A_348 = vector.load %arg15[%get3A_346, %get3A_347] : memref<96x96xf32, #tpu.memory_space<vmem>>, vector<6x96xf32>
    %dot_general3A_349 = arith.constant dense<0.000000e+00> : vector<400x96xf32>
    %dot_general3A_350 = tpu.matmul %slice3A_345, %get3A_348, %dot_general3A_349 {dimension_numbers = #tpu.dot_dimension_numbers<[1], [0], [0], [1], [0, 0, 1, 1], [], []>, transpose_lhs_hint = false} : vector<400x6xf32>, vector<6x96xf32>, vector<400x96xf32> -> vector<400x96xf32>
    %add3A_351 = arith.addf %add3A_339, %dot_general3A_350 : vector<400x96xf32>
    %get3A_352 = arith.constant 6 : index
    %get3A_353 = arith.constant 0 : index
    %get3A_354 = arith.constant 0 : index
    %get3A_355 = vector.load %arg1[%get3A_352, %get3A_353, %get3A_354] : memref<16x400x128xf32, #tpu.memory_space<vmem>>, vector<1x400x128xf32>
    %get3A_356 = vector.shape_cast %get3A_355 : vector<1x400x128xf32> to vector<400x128xf32>
    %slice3A_357 = vector.extract_strided_slice %get3A_356 {offsets = [0, 64], sizes = [400, 6], strides = [1, 1]} : vector<400x128xf32> to vector<400x6xf32>
    %get3A_358 = arith.constant 36 : index
    %get3A_359 = arith.constant 0 : index
    %get3A_360 = vector.load %arg15[%get3A_358, %get3A_359] : memref<96x96xf32, #tpu.memory_space<vmem>>, vector<6x96xf32>
    %dot_general3A_361 = arith.constant dense<0.000000e+00> : vector<400x96xf32>
    %dot_general3A_362 = tpu.matmul %slice3A_357, %get3A_360, %dot_general3A_361 {dimension_numbers = #tpu.dot_dimension_numbers<[1], [0], [0], [1], [0, 0, 1, 1], [], []>, transpose_lhs_hint = false} : vector<400x6xf32>, vector<6x96xf32>, vector<400x96xf32> -> vector<400x96xf32>
    %add3A_363 = arith.addf %add3A_351, %dot_general3A_362 : vector<400x96xf32>
    %get3A_364 = arith.constant 7 : index
    %get3A_365 = arith.constant 0 : index
    %get3A_366 = arith.constant 0 : index
    %get3A_367 = vector.load %arg1[%get3A_364, %get3A_365, %get3A_366] : memref<16x400x128xf32, #tpu.memory_space<vmem>>, vector<1x400x128xf32>
    %get3A_368 = vector.shape_cast %get3A_367 : vector<1x400x128xf32> to vector<400x128xf32>
    %slice3A_369 = vector.extract_strided_slice %get3A_368 {offsets = [0, 64], sizes = [400, 6], strides = [1, 1]} : vector<400x128xf32> to vector<400x6xf32>
    %get3A_370 = arith.constant 42 : index
    %get3A_371 = arith.constant 0 : index
    %get3A_372 = vector.load %arg15[%get3A_370, %get3A_371] : memref<96x96xf32, #tpu.memory_space<vmem>>, vector<6x96xf32>
    %dot_general3A_373 = arith.constant dense<0.000000e+00> : vector<400x96xf32>
    %dot_general3A_374 = tpu.matmul %slice3A_369, %get3A_372, %dot_general3A_373 {dimension_numbers = #tpu.dot_dimension_numbers<[1], [0], [0], [1], [0, 0, 1, 1], [], []>, transpose_lhs_hint = false} : vector<400x6xf32>, vector<6x96xf32>, vector<400x96xf32> -> vector<400x96xf32>
    %add3A_375 = arith.addf %add3A_363, %dot_general3A_374 : vector<400x96xf32>
    %get3A_376 = arith.constant 8 : index
    %get3A_377 = arith.constant 0 : index
    %get3A_378 = arith.constant 0 : index
    %get3A_379 = vector.load %arg1[%get3A_376, %get3A_377, %get3A_378] : memref<16x400x128xf32, #tpu.memory_space<vmem>>, vector<1x400x128xf32>
    %get3A_380 = vector.shape_cast %get3A_379 : vector<1x400x128xf32> to vector<400x128xf32>
    %slice3A_381 = vector.extract_strided_slice %get3A_380 {offsets = [0, 64], sizes = [400, 6], strides = [1, 1]} : vector<400x128xf32> to vector<400x6xf32>
    %get3A_382 = arith.constant 48 : index
    %get3A_383 = arith.constant 0 : index
    %get3A_384 = vector.load %arg15[%get3A_382, %get3A_383] : memref<96x96xf32, #tpu.memory_space<vmem>>, vector<6x96xf32>
    %dot_general3A_385 = arith.constant dense<0.000000e+00> : vector<400x96xf32>
    %dot_general3A_386 = tpu.matmul %slice3A_381, %get3A_384, %dot_general3A_385 {dimension_numbers = #tpu.dot_dimension_numbers<[1], [0], [0], [1], [0, 0, 1, 1], [], []>, transpose_lhs_hint = false} : vector<400x6xf32>, vector<6x96xf32>, vector<400x96xf32> -> vector<400x96xf32>
    %add3A_387 = arith.addf %add3A_375, %dot_general3A_386 : vector<400x96xf32>
    %get3A_388 = arith.constant 9 : index
    %get3A_389 = arith.constant 0 : index
    %get3A_390 = arith.constant 0 : index
    %get3A_391 = vector.load %arg1[%get3A_388, %get3A_389, %get3A_390] : memref<16x400x128xf32, #tpu.memory_space<vmem>>, vector<1x400x128xf32>
    %get3A_392 = vector.shape_cast %get3A_391 : vector<1x400x128xf32> to vector<400x128xf32>
    %slice3A_393 = vector.extract_strided_slice %get3A_392 {offsets = [0, 64], sizes = [400, 6], strides = [1, 1]} : vector<400x128xf32> to vector<400x6xf32>
    %get3A_394 = arith.constant 54 : index
    %get3A_395 = arith.constant 0 : index
    %get3A_396 = vector.load %arg15[%get3A_394, %get3A_395] : memref<96x96xf32, #tpu.memory_space<vmem>>, vector<6x96xf32>
    %dot_general3A_397 = arith.constant dense<0.000000e+00> : vector<400x96xf32>
    %dot_general3A_398 = tpu.matmul %slice3A_393, %get3A_396, %dot_general3A_397 {dimension_numbers = #tpu.dot_dimension_numbers<[1], [0], [0], [1], [0, 0, 1, 1], [], []>, transpose_lhs_hint = false} : vector<400x6xf32>, vector<6x96xf32>, vector<400x96xf32> -> vector<400x96xf32>
    %add3A_399 = arith.addf %add3A_387, %dot_general3A_398 : vector<400x96xf32>
    %get3A_400 = arith.constant 10 : index
    %get3A_401 = arith.constant 0 : index
    %get3A_402 = arith.constant 0 : index
    %get3A_403 = vector.load %arg1[%get3A_400, %get3A_401, %get3A_402] : memref<16x400x128xf32, #tpu.memory_space<vmem>>, vector<1x400x128xf32>
    %get3A_404 = vector.shape_cast %get3A_403 : vector<1x400x128xf32> to vector<400x128xf32>
    %slice3A_405 = vector.extract_strided_slice %get3A_404 {offsets = [0, 64], sizes = [400, 6], strides = [1, 1]} : vector<400x128xf32> to vector<400x6xf32>
    %get3A_406 = arith.constant 60 : index
    %get3A_407 = arith.constant 0 : index
    %get3A_408 = vector.load %arg15[%get3A_406, %get3A_407] : memref<96x96xf32, #tpu.memory_space<vmem>>, vector<6x96xf32>
    %dot_general3A_409 = arith.constant dense<0.000000e+00> : vector<400x96xf32>
    %dot_general3A_410 = tpu.matmul %slice3A_405, %get3A_408, %dot_general3A_409 {dimension_numbers = #tpu.dot_dimension_numbers<[1], [0], [0], [1], [0, 0, 1, 1], [], []>, transpose_lhs_hint = false} : vector<400x6xf32>, vector<6x96xf32>, vector<400x96xf32> -> vector<400x96xf32>
    %add3A_411 = arith.addf %add3A_399, %dot_general3A_410 : vector<400x96xf32>
    %get3A_412 = arith.constant 11 : index
    %get3A_413 = arith.constant 0 : index
    %get3A_414 = arith.constant 0 : index
    %get3A_415 = vector.load %arg1[%get3A_412, %get3A_413, %get3A_414] : memref<16x400x128xf32, #tpu.memory_space<vmem>>, vector<1x400x128xf32>
    %get3A_416 = vector.shape_cast %get3A_415 : vector<1x400x128xf32> to vector<400x128xf32>
    %slice3A_417 = vector.extract_strided_slice %get3A_416 {offsets = [0, 64], sizes = [400, 6], strides = [1, 1]} : vector<400x128xf32> to vector<400x6xf32>
    %get3A_418 = arith.constant 66 : index
    %get3A_419 = arith.constant 0 : index
    %get3A_420 = vector.load %arg15[%get3A_418, %get3A_419] : memref<96x96xf32, #tpu.memory_space<vmem>>, vector<6x96xf32>
    %dot_general3A_421 = arith.constant dense<0.000000e+00> : vector<400x96xf32>
    %dot_general3A_422 = tpu.matmul %slice3A_417, %get3A_420, %dot_general3A_421 {dimension_numbers = #tpu.dot_dimension_numbers<[1], [0], [0], [1], [0, 0, 1, 1], [], []>, transpose_lhs_hint = false} : vector<400x6xf32>, vector<6x96xf32>, vector<400x96xf32> -> vector<400x96xf32>
    %add3A_423 = arith.addf %add3A_411, %dot_general3A_422 : vector<400x96xf32>
    %get3A_424 = arith.constant 12 : index
    %get3A_425 = arith.constant 0 : index
    %get3A_426 = arith.constant 0 : index
    %get3A_427 = vector.load %arg1[%get3A_424, %get3A_425, %get3A_426] : memref<16x400x128xf32, #tpu.memory_space<vmem>>, vector<1x400x128xf32>
    %get3A_428 = vector.shape_cast %get3A_427 : vector<1x400x128xf32> to vector<400x128xf32>
    %slice3A_429 = vector.extract_strided_slice %get3A_428 {offsets = [0, 64], sizes = [400, 6], strides = [1, 1]} : vector<400x128xf32> to vector<400x6xf32>
    %get3A_430 = arith.constant 72 : index
    %get3A_431 = arith.constant 0 : index
    %get3A_432 = vector.load %arg15[%get3A_430, %get3A_431] : memref<96x96xf32, #tpu.memory_space<vmem>>, vector<6x96xf32>
    %dot_general3A_433 = arith.constant dense<0.000000e+00> : vector<400x96xf32>
    %dot_general3A_434 = tpu.matmul %slice3A_429, %get3A_432, %dot_general3A_433 {dimension_numbers = #tpu.dot_dimension_numbers<[1], [0], [0], [1], [0, 0, 1, 1], [], []>, transpose_lhs_hint = false} : vector<400x6xf32>, vector<6x96xf32>, vector<400x96xf32> -> vector<400x96xf32>
    %add3A_435 = arith.addf %add3A_423, %dot_general3A_434 : vector<400x96xf32>
    %get3A_436 = arith.constant 13 : index
    %get3A_437 = arith.constant 0 : index
    %get3A_438 = arith.constant 0 : index
    %get3A_439 = vector.load %arg1[%get3A_436, %get3A_437, %get3A_438] : memref<16x400x128xf32, #tpu.memory_space<vmem>>, vector<1x400x128xf32>
    %get3A_440 = vector.shape_cast %get3A_439 : vector<1x400x128xf32> to vector<400x128xf32>
    %slice3A_441 = vector.extract_strided_slice %get3A_440 {offsets = [0, 64], sizes = [400, 6], strides = [1, 1]} : vector<400x128xf32> to vector<400x6xf32>
    %get3A_442 = arith.constant 78 : index
    %get3A_443 = arith.constant 0 : index
    %get3A_444 = vector.load %arg15[%get3A_442, %get3A_443] : memref<96x96xf32, #tpu.memory_space<vmem>>, vector<6x96xf32>
    %dot_general3A_445 = arith.constant dense<0.000000e+00> : vector<400x96xf32>
    %dot_general3A_446 = tpu.matmul %slice3A_441, %get3A_444, %dot_general3A_445 {dimension_numbers = #tpu.dot_dimension_numbers<[1], [0], [0], [1], [0, 0, 1, 1], [], []>, transpose_lhs_hint = false} : vector<400x6xf32>, vector<6x96xf32>, vector<400x96xf32> -> vector<400x96xf32>
    %add3A_447 = arith.addf %add3A_435, %dot_general3A_446 : vector<400x96xf32>
    %get3A_448 = arith.constant 14 : index
    %get3A_449 = arith.constant 0 : index
    %get3A_450 = arith.constant 0 : index
    %get3A_451 = vector.load %arg1[%get3A_448, %get3A_449, %get3A_450] : memref<16x400x128xf32, #tpu.memory_space<vmem>>, vector<1x400x128xf32>
    %get3A_452 = vector.shape_cast %get3A_451 : vector<1x400x128xf32> to vector<400x128xf32>
    %slice3A_453 = vector.extract_strided_slice %get3A_452 {offsets = [0, 64], sizes = [400, 6], strides = [1, 1]} : vector<400x128xf32> to vector<400x6xf32>
    %get3A_454 = arith.constant 84 : index
    %get3A_455 = arith.constant 0 : index
    %get3A_456 = vector.load %arg15[%get3A_454, %get3A_455] : memref<96x96xf32, #tpu.memory_space<vmem>>, vector<6x96xf32>
    %dot_general3A_457 = arith.constant dense<0.000000e+00> : vector<400x96xf32>
    %dot_general3A_458 = tpu.matmul %slice3A_453, %get3A_456, %dot_general3A_457 {dimension_numbers = #tpu.dot_dimension_numbers<[1], [0], [0], [1], [0, 0, 1, 1], [], []>, transpose_lhs_hint = false} : vector<400x6xf32>, vector<6x96xf32>, vector<400x96xf32> -> vector<400x96xf32>
    %add3A_459 = arith.addf %add3A_447, %dot_general3A_458 : vector<400x96xf32>
    %get3A_460 = arith.constant 15 : index
    %get3A_461 = arith.constant 0 : index
    %get3A_462 = arith.constant 0 : index
    %get3A_463 = vector.load %arg1[%get3A_460, %get3A_461, %get3A_462] : memref<16x400x128xf32, #tpu.memory_space<vmem>>, vector<1x400x128xf32>
    %get3A_464 = vector.shape_cast %get3A_463 : vector<1x400x128xf32> to vector<400x128xf32>
    %slice3A_465 = vector.extract_strided_slice %get3A_464 {offsets = [0, 64], sizes = [400, 6], strides = [1, 1]} : vector<400x128xf32> to vector<400x6xf32>
    %get3A_466 = arith.constant 90 : index
    %get3A_467 = arith.constant 0 : index
    %get3A_468 = vector.load %arg15[%get3A_466, %get3A_467] : memref<96x96xf32, #tpu.memory_space<vmem>>, vector<6x96xf32>
    %dot_general3A_469 = arith.constant dense<0.000000e+00> : vector<400x96xf32>
    %dot_general3A_470 = tpu.matmul %slice3A_465, %get3A_468, %dot_general3A_469 {dimension_numbers = #tpu.dot_dimension_numbers<[1], [0], [0], [1], [0, 0, 1, 1], [], []>, transpose_lhs_hint = false} : vector<400x6xf32>, vector<6x96xf32>, vector<400x96xf32> -> vector<400x96xf32>
    %add3A_471 = arith.addf %add3A_459, %dot_general3A_470 : vector<400x96xf32>
    %slice3A_472 = vector.extract_strided_slice %get3A_1 {offsets = [0, 64], sizes = [400, 6], strides = [1, 1]} : vector<400x128xf32> to vector<400x6xf32>
    %get3A_473 = arith.constant 0 : index
    %get3A_474 = arith.constant 0 : index
    %get3A_475 = vector.load %arg16[%get3A_473, %get3A_474] : memref<576x16xf32, #tpu.memory_space<vmem>>, vector<96x16xf32>
    %dot_general3A_476 = arith.constant dense<0.000000e+00> : vector<400x16xf32>
    %dot_general3A_477 = tpu.matmul %add3A_471, %get3A_475, %dot_general3A_476 {dimension_numbers = #tpu.dot_dimension_numbers<[1], [0], [0], [1], [0, 0, 1, 1], [], []>, transpose_lhs_hint = false} : vector<400x96xf32>, vector<96x16xf32>, vector<400x16xf32> -> vector<400x16xf32>
    %get3A_478 = arith.constant 96 : index
    %get3A_479 = arith.constant 0 : index
    %get3A_480 = vector.load %arg16[%get3A_478, %get3A_479] : memref<576x16xf32, #tpu.memory_space<vmem>>, vector<96x16xf32>
    %dot_general3A_481 = arith.constant dense<0.000000e+00> : vector<400x16xf32>
    %dot_general3A_482 = tpu.matmul %add3A_471, %get3A_480, %dot_general3A_481 {dimension_numbers = #tpu.dot_dimension_numbers<[1], [0], [0], [1], [0, 0, 1, 1], [], []>, transpose_lhs_hint = false} : vector<400x96xf32>, vector<96x16xf32>, vector<400x16xf32> -> vector<400x16xf32>
    %get3A_483 = arith.constant 192 : index
    %get3A_484 = arith.constant 0 : index
    %get3A_485 = vector.load %arg16[%get3A_483, %get3A_484] : memref<576x16xf32, #tpu.memory_space<vmem>>, vector<96x16xf32>
    %dot_general3A_486 = arith.constant dense<0.000000e+00> : vector<400x16xf32>
    %dot_general3A_487 = tpu.matmul %add3A_471, %get3A_485, %dot_general3A_486 {dimension_numbers = #tpu.dot_dimension_numbers<[1], [0], [0], [1], [0, 0, 1, 1], [], []>, transpose_lhs_hint = false} : vector<400x96xf32>, vector<96x16xf32>, vector<400x16xf32> -> vector<400x16xf32>
    %get3A_488 = arith.constant 288 : index
    %get3A_489 = arith.constant 0 : index
    %get3A_490 = vector.load %arg16[%get3A_488, %get3A_489] : memref<576x16xf32, #tpu.memory_space<vmem>>, vector<96x16xf32>
    %dot_general3A_491 = arith.constant dense<0.000000e+00> : vector<400x16xf32>
    %dot_general3A_492 = tpu.matmul %add3A_471, %get3A_490, %dot_general3A_491 {dimension_numbers = #tpu.dot_dimension_numbers<[1], [0], [0], [1], [0, 0, 1, 1], [], []>, transpose_lhs_hint = false} : vector<400x96xf32>, vector<96x16xf32>, vector<400x16xf32> -> vector<400x16xf32>
    %get3A_493 = arith.constant 384 : index
    %get3A_494 = arith.constant 0 : index
    %get3A_495 = vector.load %arg16[%get3A_493, %get3A_494] : memref<576x16xf32, #tpu.memory_space<vmem>>, vector<96x16xf32>
    %dot_general3A_496 = arith.constant dense<0.000000e+00> : vector<400x16xf32>
    %dot_general3A_497 = tpu.matmul %add3A_471, %get3A_495, %dot_general3A_496 {dimension_numbers = #tpu.dot_dimension_numbers<[1], [0], [0], [1], [0, 0, 1, 1], [], []>, transpose_lhs_hint = false} : vector<400x96xf32>, vector<96x16xf32>, vector<400x16xf32> -> vector<400x16xf32>
    %get3A_498 = arith.constant 480 : index
    %get3A_499 = arith.constant 0 : index
    %get3A_500 = vector.load %arg16[%get3A_498, %get3A_499] : memref<576x16xf32, #tpu.memory_space<vmem>>, vector<96x16xf32>
    %dot_general3A_501 = arith.constant dense<0.000000e+00> : vector<400x16xf32>
    %dot_general3A_502 = tpu.matmul %add3A_471, %get3A_500, %dot_general3A_501 {dimension_numbers = #tpu.dot_dimension_numbers<[1], [0], [0], [1], [0, 0, 1, 1], [], []>, transpose_lhs_hint = false} : vector<400x96xf32>, vector<96x16xf32>, vector<400x16xf32> -> vector<400x16xf32>
    %get3A_503 = arith.constant 0 : index
    %get3A_504 = arith.constant 0 : index
    %get3A_505 = vector.load %arg17[%get3A_503, %get3A_504] : memref<36x16xf32, #tpu.memory_space<vmem>>, vector<6x16xf32>
    %dot_general3A_506 = arith.constant dense<0.000000e+00> : vector<400x16xf32>
    %dot_general3A_507 = tpu.matmul %slice3A_472, %get3A_505, %dot_general3A_506 {dimension_numbers = #tpu.dot_dimension_numbers<[1], [0], [0], [1], [0, 0, 1, 1], [], []>, transpose_lhs_hint = false} : vector<400x6xf32>, vector<6x16xf32>, vector<400x16xf32> -> vector<400x16xf32>
    %get3A_508 = arith.constant 6 : index
    %get3A_509 = arith.constant 0 : index
    %get3A_510 = vector.load %arg17[%get3A_508, %get3A_509] : memref<36x16xf32, #tpu.memory_space<vmem>>, vector<6x16xf32>
    %dot_general3A_511 = arith.constant dense<0.000000e+00> : vector<400x16xf32>
    %dot_general3A_512 = tpu.matmul %slice3A_472, %get3A_510, %dot_general3A_511 {dimension_numbers = #tpu.dot_dimension_numbers<[1], [0], [0], [1], [0, 0, 1, 1], [], []>, transpose_lhs_hint = false} : vector<400x6xf32>, vector<6x16xf32>, vector<400x16xf32> -> vector<400x16xf32>
    %get3A_513 = arith.constant 12 : index
    %get3A_514 = arith.constant 0 : index
    %get3A_515 = vector.load %arg17[%get3A_513, %get3A_514] : memref<36x16xf32, #tpu.memory_space<vmem>>, vector<6x16xf32>
    %dot_general3A_516 = arith.constant dense<0.000000e+00> : vector<400x16xf32>
    %dot_general3A_517 = tpu.matmul %slice3A_472, %get3A_515, %dot_general3A_516 {dimension_numbers = #tpu.dot_dimension_numbers<[1], [0], [0], [1], [0, 0, 1, 1], [], []>, transpose_lhs_hint = false} : vector<400x6xf32>, vector<6x16xf32>, vector<400x16xf32> -> vector<400x16xf32>
    %get3A_518 = arith.constant 18 : index
    %get3A_519 = arith.constant 0 : index
    %get3A_520 = vector.load %arg17[%get3A_518, %get3A_519] : memref<36x16xf32, #tpu.memory_space<vmem>>, vector<6x16xf32>
    %dot_general3A_521 = arith.constant dense<0.000000e+00> : vector<400x16xf32>
    %dot_general3A_522 = tpu.matmul %slice3A_472, %get3A_520, %dot_general3A_521 {dimension_numbers = #tpu.dot_dimension_numbers<[1], [0], [0], [1], [0, 0, 1, 1], [], []>, transpose_lhs_hint = false} : vector<400x6xf32>, vector<6x16xf32>, vector<400x16xf32> -> vector<400x16xf32>
    %get3A_523 = arith.constant 24 : index
    %get3A_524 = arith.constant 0 : index
    %get3A_525 = vector.load %arg17[%get3A_523, %get3A_524] : memref<36x16xf32, #tpu.memory_space<vmem>>, vector<6x16xf32>
    %dot_general3A_526 = arith.constant dense<0.000000e+00> : vector<400x16xf32>
    %dot_general3A_527 = tpu.matmul %slice3A_472, %get3A_525, %dot_general3A_526 {dimension_numbers = #tpu.dot_dimension_numbers<[1], [0], [0], [1], [0, 0, 1, 1], [], []>, transpose_lhs_hint = false} : vector<400x6xf32>, vector<6x16xf32>, vector<400x16xf32> -> vector<400x16xf32>
    %get3A_528 = arith.constant 30 : index
    %get3A_529 = arith.constant 0 : index
    %get3A_530 = vector.load %arg17[%get3A_528, %get3A_529] : memref<36x16xf32, #tpu.memory_space<vmem>>, vector<6x16xf32>
    %dot_general3A_531 = arith.constant dense<0.000000e+00> : vector<400x16xf32>
    %dot_general3A_532 = tpu.matmul %slice3A_472, %get3A_530, %dot_general3A_531 {dimension_numbers = #tpu.dot_dimension_numbers<[1], [0], [0], [1], [0, 0, 1, 1], [], []>, transpose_lhs_hint = false} : vector<400x6xf32>, vector<6x16xf32>, vector<400x16xf32> -> vector<400x16xf32>
    %sub3A = arith.subf %dot_general3A_477, %dot_general3A_507 : vector<400x16xf32>
    %sub3A_533 = arith.subf %dot_general3A_482, %dot_general3A_512 : vector<400x16xf32>
    %sub3A_534 = arith.subf %dot_general3A_487, %dot_general3A_517 : vector<400x16xf32>
    %mul3A = arith.mulf %dot_general3A_527, %sub3A_534 : vector<400x16xf32>
    %mul3A_535 = arith.mulf %dot_general3A_532, %sub3A_533 : vector<400x16xf32>
    %sub3A_536 = arith.subf %mul3A, %mul3A_535 : vector<400x16xf32>
    %mul3A_537 = arith.mulf %dot_general3A_532, %sub3A : vector<400x16xf32>
    %mul3A_538 = arith.mulf %dot_general3A_522, %sub3A_534 : vector<400x16xf32>
    %sub3A_539 = arith.subf %mul3A_537, %mul3A_538 : vector<400x16xf32>
    %mul3A_540 = arith.mulf %dot_general3A_522, %sub3A_533 : vector<400x16xf32>
    %mul3A_541 = arith.mulf %dot_general3A_527, %sub3A : vector<400x16xf32>
    %sub3A_542 = arith.subf %mul3A_540, %mul3A_541 : vector<400x16xf32>
    %mul3A_543 = arith.mulf %sub3A_536, %sub3A_536 : vector<400x16xf32>
    %mul3A_544 = arith.mulf %sub3A_539, %sub3A_539 : vector<400x16xf32>
    %add3A_545 = arith.addf %mul3A_543, %mul3A_544 : vector<400x16xf32>
    %mul3A_546 = arith.mulf %sub3A_542, %sub3A_542 : vector<400x16xf32>
    %add3A_547 = arith.addf %add3A_545, %mul3A_546 : vector<400x16xf32>
    %mul3A_548 = arith.mulf %dot_general3A_522, %sub3A : vector<400x16xf32>
    %mul3A_549 = arith.mulf %dot_general3A_527, %sub3A_533 : vector<400x16xf32>
    %add3A_550 = arith.addf %mul3A_548, %mul3A_549 : vector<400x16xf32>
    %mul3A_551 = arith.mulf %dot_general3A_532, %sub3A_534 : vector<400x16xf32>
    %add3A_552 = arith.addf %add3A_550, %mul3A_551 : vector<400x16xf32>
    %mul3A_553 = arith.mulf %dot_general3A_497, %sub3A_534 : vector<400x16xf32>
    %mul3A_554 = arith.mulf %dot_general3A_502, %sub3A_533 : vector<400x16xf32>
    %sub3A_555 = arith.subf %mul3A_553, %mul3A_554 : vector<400x16xf32>
    %mul3A_556 = arith.mulf %dot_general3A_502, %sub3A : vector<400x16xf32>
    %mul3A_557 = arith.mulf %dot_general3A_492, %sub3A_534 : vector<400x16xf32>
    %sub3A_558 = arith.subf %mul3A_556, %mul3A_557 : vector<400x16xf32>
    %mul3A_559 = arith.mulf %dot_general3A_492, %sub3A_533 : vector<400x16xf32>
    %mul3A_560 = arith.mulf %dot_general3A_497, %sub3A : vector<400x16xf32>
    %sub3A_561 = arith.subf %mul3A_559, %mul3A_560 : vector<400x16xf32>
    %mul3A_562 = arith.mulf %sub3A_555, %sub3A_555 : vector<400x16xf32>
    %mul3A_563 = arith.mulf %sub3A_558, %sub3A_558 : vector<400x16xf32>
    %add3A_564 = arith.addf %mul3A_562, %mul3A_563 : vector<400x16xf32>
    %mul3A_565 = arith.mulf %sub3A_561, %sub3A_561 : vector<400x16xf32>
    %add3A_566 = arith.addf %add3A_564, %mul3A_565 : vector<400x16xf32>
    %mul3A_567 = arith.mulf %dot_general3A_492, %sub3A : vector<400x16xf32>
    %mul3A_568 = arith.mulf %dot_general3A_497, %sub3A_533 : vector<400x16xf32>
    %add3A_569 = arith.addf %mul3A_567, %mul3A_568 : vector<400x16xf32>
    %mul3A_570 = arith.mulf %dot_general3A_502, %sub3A_534 : vector<400x16xf32>
    %add3A_571 = arith.addf %add3A_569, %mul3A_570 : vector<400x16xf32>
    %mul3A_572 = arith.mulf %dot_general3A_527, %dot_general3A_502 : vector<400x16xf32>
    %mul3A_573 = arith.mulf %dot_general3A_532, %dot_general3A_497 : vector<400x16xf32>
    %sub3A_574 = arith.subf %mul3A_572, %mul3A_573 : vector<400x16xf32>
    %mul3A_575 = arith.mulf %dot_general3A_532, %dot_general3A_492 : vector<400x16xf32>
    %mul3A_576 = arith.mulf %dot_general3A_522, %dot_general3A_502 : vector<400x16xf32>
    %sub3A_577 = arith.subf %mul3A_575, %mul3A_576 : vector<400x16xf32>
    %mul3A_578 = arith.mulf %dot_general3A_522, %dot_general3A_497 : vector<400x16xf32>
    %mul3A_579 = arith.mulf %dot_general3A_527, %dot_general3A_492 : vector<400x16xf32>
    %sub3A_580 = arith.subf %mul3A_578, %mul3A_579 : vector<400x16xf32>
    %mul3A_581 = arith.mulf %sub3A_574, %sub3A_574 : vector<400x16xf32>
    %mul3A_582 = arith.mulf %sub3A_577, %sub3A_577 : vector<400x16xf32>
    %add3A_583 = arith.addf %mul3A_581, %mul3A_582 : vector<400x16xf32>
    %mul3A_584 = arith.mulf %sub3A_580, %sub3A_580 : vector<400x16xf32>
    %add3A_585 = arith.addf %add3A_583, %mul3A_584 : vector<400x16xf32>
    %mul3A_586 = arith.mulf %dot_general3A_522, %dot_general3A_492 : vector<400x16xf32>
    %mul3A_587 = arith.mulf %dot_general3A_527, %dot_general3A_497 : vector<400x16xf32>
    %add3A_588 = arith.addf %mul3A_586, %mul3A_587 : vector<400x16xf32>
    %mul3A_589 = arith.mulf %dot_general3A_532, %dot_general3A_502 : vector<400x16xf32>
    %add3A_590 = arith.addf %add3A_588, %mul3A_589 : vector<400x16xf32>
    %mul3A_591 = arith.mulf %sub3A, %sub3A : vector<400x16xf32>
    %mul3A_592 = arith.mulf %sub3A_533, %sub3A_533 : vector<400x16xf32>
    %add3A_593 = arith.addf %mul3A_591, %mul3A_592 : vector<400x16xf32>
    %mul3A_594 = arith.mulf %sub3A_534, %sub3A_534 : vector<400x16xf32>
    %add3A_595 = arith.addf %add3A_593, %mul3A_594 : vector<400x16xf32>
    %get3A_596 = arith.constant 0 : index
    %get3A_597 = arith.constant 0 : index
    %get3A_598 = vector.load %arg18[%get3A_596, %get3A_597] : memref<64x64xf32, #tpu.memory_space<vmem>>, vector<16x64xf32>
    %dot_general3A_599 = arith.constant dense<0.000000e+00> : vector<400x64xf32>
    %dot_general3A_600 = tpu.matmul %add3A_547, %get3A_598, %dot_general3A_599 {dimension_numbers = #tpu.dot_dimension_numbers<[1], [0], [0], [1], [0, 0, 1, 1], [], []>, transpose_lhs_hint = false} : vector<400x16xf32>, vector<16x64xf32>, vector<400x64xf32> -> vector<400x64xf32>
    %get3A_601 = arith.constant 16 : index
    %get3A_602 = arith.constant 0 : index
    %get3A_603 = vector.load %arg18[%get3A_601, %get3A_602] : memref<64x64xf32, #tpu.memory_space<vmem>>, vector<16x64xf32>
    %dot_general3A_604 = arith.constant dense<0.000000e+00> : vector<400x64xf32>
    %dot_general3A_605 = tpu.matmul %add3A_566, %get3A_603, %dot_general3A_604 {dimension_numbers = #tpu.dot_dimension_numbers<[1], [0], [0], [1], [0, 0, 1, 1], [], []>, transpose_lhs_hint = false} : vector<400x16xf32>, vector<16x64xf32>, vector<400x64xf32> -> vector<400x64xf32>
    %add3A_606 = arith.addf %dot_general3A_600, %dot_general3A_605 : vector<400x64xf32>
    %get3A_607 = arith.constant 32 : index
    %get3A_608 = arith.constant 0 : index
    %get3A_609 = vector.load %arg18[%get3A_607, %get3A_608] : memref<64x64xf32, #tpu.memory_space<vmem>>, vector<16x64xf32>
    %dot_general3A_610 = arith.constant dense<0.000000e+00> : vector<400x64xf32>
    %dot_general3A_611 = tpu.matmul %add3A_585, %get3A_609, %dot_general3A_610 {dimension_numbers = #tpu.dot_dimension_numbers<[1], [0], [0], [1], [0, 0, 1, 1], [], []>, transpose_lhs_hint = false} : vector<400x16xf32>, vector<16x64xf32>, vector<400x64xf32> -> vector<400x64xf32>
    %add3A_612 = arith.addf %add3A_606, %dot_general3A_611 : vector<400x64xf32>
    %get3A_613 = arith.constant 48 : index
    %get3A_614 = arith.constant 0 : index
    %get3A_615 = vector.load %arg18[%get3A_613, %get3A_614] : memref<64x64xf32, #tpu.memory_space<vmem>>, vector<16x64xf32>
    %dot_general3A_616 = arith.constant dense<0.000000e+00> : vector<400x64xf32>
    %dot_general3A_617 = tpu.matmul %add3A_595, %get3A_615, %dot_general3A_616 {dimension_numbers = #tpu.dot_dimension_numbers<[1], [0], [0], [1], [0, 0, 1, 1], [], []>, transpose_lhs_hint = false} : vector<400x16xf32>, vector<16x64xf32>, vector<400x64xf32> -> vector<400x64xf32>
    %add3A_618 = arith.addf %add3A_612, %dot_general3A_617 : vector<400x64xf32>
    %sqrt3A = math.sqrt %add3A_618 : vector<400x64xf32>
    %get3A_619 = arith.constant 0 : index
    %get3A_620 = arith.constant 0 : index
    %get3A_621 = vector.load %arg19[%get3A_619, %get3A_620] : memref<48x48xf32, #tpu.memory_space<vmem>>, vector<16x48xf32>
    %dot_general3A_622 = arith.constant dense<0.000000e+00> : vector<400x48xf32>
    %dot_general3A_623 = tpu.matmul %add3A_552, %get3A_621, %dot_general3A_622 {dimension_numbers = #tpu.dot_dimension_numbers<[1], [0], [0], [1], [0, 0, 1, 1], [], []>, transpose_lhs_hint = false} : vector<400x16xf32>, vector<16x48xf32>, vector<400x48xf32> -> vector<400x48xf32>
    %get3A_624 = arith.constant 16 : index
    %get3A_625 = arith.constant 0 : index
    %get3A_626 = vector.load %arg19[%get3A_624, %get3A_625] : memref<48x48xf32, #tpu.memory_space<vmem>>, vector<16x48xf32>
    %dot_general3A_627 = arith.constant dense<0.000000e+00> : vector<400x48xf32>
    %dot_general3A_628 = tpu.matmul %add3A_571, %get3A_626, %dot_general3A_627 {dimension_numbers = #tpu.dot_dimension_numbers<[1], [0], [0], [1], [0, 0, 1, 1], [], []>, transpose_lhs_hint = false} : vector<400x16xf32>, vector<16x48xf32>, vector<400x48xf32> -> vector<400x48xf32>
    %add3A_629 = arith.addf %dot_general3A_623, %dot_general3A_628 : vector<400x48xf32>
    %get3A_630 = arith.constant 32 : index
    %get3A_631 = arith.constant 0 : index
    %get3A_632 = vector.load %arg19[%get3A_630, %get3A_631] : memref<48x48xf32, #tpu.memory_space<vmem>>, vector<16x48xf32>
    %dot_general3A_633 = arith.constant dense<0.000000e+00> : vector<400x48xf32>
    %dot_general3A_634 = tpu.matmul %add3A_590, %get3A_632, %dot_general3A_633 {dimension_numbers = #tpu.dot_dimension_numbers<[1], [0], [0], [1], [0, 0, 1, 1], [], []>, transpose_lhs_hint = false} : vector<400x16xf32>, vector<16x48xf32>, vector<400x48xf32> -> vector<400x48xf32>
    %add3A_635 = arith.addf %add3A_629, %dot_general3A_634 : vector<400x48xf32>
    %slice3A_636 = vector.extract_strided_slice %sqrt3A {offsets = [0, 0], sizes = [400, 48], strides = [1, 1]} : vector<400x64xf32> to vector<400x48xf32>
    %atan23A = math.atan2 %slice3A_636, %add3A_635 : vector<400x48xf32>
    %get3A_637 = arith.constant 0 : index
    %get3A_638 = arith.constant 0 : index
    %get3A_639 = vector.load %arg20[%get3A_637, %get3A_638] : memref<48x64xf32, #tpu.memory_space<vmem>>, vector<48x64xf32>
    %dot_general3A_640 = arith.constant dense<0.000000e+00> : vector<400x64xf32>
    %dot_general3A_641 = tpu.matmul %atan23A, %get3A_639, %dot_general3A_640 {dimension_numbers = #tpu.dot_dimension_numbers<[1], [0], [0], [1], [0, 0, 1, 1], [], []>, transpose_lhs_hint = false} : vector<400x48xf32>, vector<48x64xf32>, vector<400x64xf32> -> vector<400x64xf32>
    %get3A_642 = arith.constant 0 : index
    %get3A_643 = arith.constant 0 : index
    %get3A_644 = vector.load %arg21[%get3A_642, %get3A_643] : memref<64x64xf32, #tpu.memory_space<vmem>>, vector<64x64xf32>
    %dot_general3A_645 = arith.constant dense<0.000000e+00> : vector<400x64xf32>
    %dot_general3A_646 = tpu.matmul %sqrt3A, %get3A_644, %dot_general3A_645 {dimension_numbers = #tpu.dot_dimension_numbers<[1], [0], [0], [1], [0, 0, 1, 1], [], []>, transpose_lhs_hint = false} : vector<400x64xf32>, vector<64x64xf32>, vector<400x64xf32> -> vector<400x64xf32>
    %add3A_647 = arith.addf %dot_general3A_641, %dot_general3A_646 : vector<400x64xf32>
    %broadcast_in_dim3A_648 = arith.constant 0.000000e+00 : f32
    %broadcast_in_dim3A_649 = vector.broadcast %broadcast_in_dim3A_648 : f32 to vector<400x64xf32>
    %broadcast_in_dim3A_650 = arith.constant 0.000000e+00 : f32
    %broadcast_in_dim3A_651 = vector.broadcast %broadcast_in_dim3A_650 : f32 to vector<400x64xf32>
    %get3A_652 = arith.constant 0 : index
    %get3A_653 = arith.constant 0 : index
    %get3A_654 = vector.load %arg6[%get3A_652, %get3A_653] : memref<1024x64xf32, #tpu.memory_space<vmem>>, vector<64x64xf32>
    %dot_general3A_655 = arith.constant dense<0.000000e+00> : vector<400x64xf32>
    %dot_general3A_656 = tpu.matmul %add3A_647, %get3A_654, %dot_general3A_655 {dimension_numbers = #tpu.dot_dimension_numbers<[1], [0], [0], [1], [0, 0, 1, 1], [], []>, transpose_lhs_hint = false} : vector<400x64xf32>, vector<64x64xf32>, vector<400x64xf32> -> vector<400x64xf32>
    %add3A_657 = vector.broadcast %broadcast_in_dim3A : vector<1x64xf32> to vector<400x64xf32>
    %add3A_658 = arith.addf %dot_general3A_656, %add3A_657 : vector<400x64xf32>
    %max3A = arith.constant 0.000000e+00 : f32
    %max3A_659 = vector.broadcast %max3A : f32 to vector<400x64xf32>
    %max3A_660 = arith.maximumf %add3A_658, %max3A_659 : vector<400x64xf32>
    %dot_general3A_661 = arith.constant dense<0.000000e+00> : vector<400x64xf32>
    %dot_general3A_662 = tpu.matmul %max3A_660, %get3A_15, %dot_general3A_661 {dimension_numbers = #tpu.dot_dimension_numbers<[1], [0], [0], [1], [0, 0, 1, 1], [], []>, transpose_lhs_hint = false} : vector<400x64xf32>, vector<64x64xf32>, vector<400x64xf32> -> vector<400x64xf32>
    %add3A_663 = vector.broadcast %broadcast_in_dim3A_18 : vector<1x64xf32> to vector<400x64xf32>
    %add3A_664 = arith.addf %dot_general3A_662, %add3A_663 : vector<400x64xf32>
    %add3A_665 = arith.addf %dot_general3A_30, %add3A_664 : vector<400x64xf32>
    %add3A_666 = arith.addf %dot_general3A_158, %add3A_664 : vector<400x64xf32>
    %mul3A_667 = arith.mulf %dot_general3A_22, %add3A_665 : vector<400x64xf32>
    %dot_general3A_668 = arith.constant dense<0.000000e+00> : vector<400x64xf32>
    %dot_general3A_669 = tpu.matmul %mul3A_667, %get3A_21, %dot_general3A_668 {dimension_numbers = #tpu.dot_dimension_numbers<[1], [0], [0], [1], [0, 0, 1, 1], [], []>, transpose_lhs_hint = false} : vector<400x64xf32>, vector<64x64xf32>, vector<400x64xf32> -> vector<400x64xf32>
    %exp3A = math.exp %dot_general3A_669 : vector<400x64xf32>
    %add3A_670 = arith.addf %broadcast_in_dim3A_649, %exp3A : vector<400x64xf32>
    %mul3A_671 = arith.mulf %exp3A, %add3A_666 : vector<400x64xf32>
    %add3A_672 = arith.addf %broadcast_in_dim3A_651, %mul3A_671 : vector<400x64xf32>
    %get3A_673 = arith.constant 64 : index
    %get3A_674 = arith.constant 0 : index
    %get3A_675 = vector.load %arg6[%get3A_673, %get3A_674] : memref<1024x64xf32, #tpu.memory_space<vmem>>, vector<64x64xf32>
    %dot_general3A_676 = arith.constant dense<0.000000e+00> : vector<400x64xf32>
    %dot_general3A_677 = tpu.matmul %add3A_647, %get3A_675, %dot_general3A_676 {dimension_numbers = #tpu.dot_dimension_numbers<[1], [0], [0], [1], [0, 0, 1, 1], [], []>, transpose_lhs_hint = false} : vector<400x64xf32>, vector<64x64xf32>, vector<400x64xf32> -> vector<400x64xf32>
    %add3A_678 = vector.broadcast %broadcast_in_dim3A : vector<1x64xf32> to vector<400x64xf32>
    %add3A_679 = arith.addf %dot_general3A_677, %add3A_678 : vector<400x64xf32>
    %max3A_680 = arith.constant 0.000000e+00 : f32
    %max3A_681 = vector.broadcast %max3A_680 : f32 to vector<400x64xf32>
    %max3A_682 = arith.maximumf %add3A_679, %max3A_681 : vector<400x64xf32>
    %dot_general3A_683 = arith.constant dense<0.000000e+00> : vector<400x64xf32>
    %dot_general3A_684 = tpu.matmul %max3A_682, %get3A_15, %dot_general3A_683 {dimension_numbers = #tpu.dot_dimension_numbers<[1], [0], [0], [1], [0, 0, 1, 1], [], []>, transpose_lhs_hint = false} : vector<400x64xf32>, vector<64x64xf32>, vector<400x64xf32> -> vector<400x64xf32>
    %add3A_685 = vector.broadcast %broadcast_in_dim3A_18 : vector<1x64xf32> to vector<400x64xf32>
    %add3A_686 = arith.addf %dot_general3A_684, %add3A_685 : vector<400x64xf32>
    %add3A_687 = arith.addf %dot_general3A_38, %add3A_686 : vector<400x64xf32>
    %add3A_688 = arith.addf %dot_general3A_166, %add3A_686 : vector<400x64xf32>
    %mul3A_689 = arith.mulf %dot_general3A_22, %add3A_687 : vector<400x64xf32>
    %dot_general3A_690 = arith.constant dense<0.000000e+00> : vector<400x64xf32>
    %dot_general3A_691 = tpu.matmul %mul3A_689, %get3A_21, %dot_general3A_690 {dimension_numbers = #tpu.dot_dimension_numbers<[1], [0], [0], [1], [0, 0, 1, 1], [], []>, transpose_lhs_hint = false} : vector<400x64xf32>, vector<64x64xf32>, vector<400x64xf32> -> vector<400x64xf32>
    %exp3A_692 = math.exp %dot_general3A_691 : vector<400x64xf32>
    %add3A_693 = arith.addf %add3A_670, %exp3A_692 : vector<400x64xf32>
    %mul3A_694 = arith.mulf %exp3A_692, %add3A_688 : vector<400x64xf32>
    %add3A_695 = arith.addf %add3A_672, %mul3A_694 : vector<400x64xf32>
    %get3A_696 = arith.constant 128 : index
    %get3A_697 = arith.constant 0 : index
    %get3A_698 = vector.load %arg6[%get3A_696, %get3A_697] : memref<1024x64xf32, #tpu.memory_space<vmem>>, vector<64x64xf32>
    %dot_general3A_699 = arith.constant dense<0.000000e+00> : vector<400x64xf32>
    %dot_general3A_700 = tpu.matmul %add3A_647, %get3A_698, %dot_general3A_699 {dimension_numbers = #tpu.dot_dimension_numbers<[1], [0], [0], [1], [0, 0, 1, 1], [], []>, transpose_lhs_hint = false} : vector<400x64xf32>, vector<64x64xf32>, vector<400x64xf32> -> vector<400x64xf32>
    %add3A_701 = vector.broadcast %broadcast_in_dim3A : vector<1x64xf32> to vector<400x64xf32>
    %add3A_702 = arith.addf %dot_general3A_700, %add3A_701 : vector<400x64xf32>
    %max3A_703 = arith.constant 0.000000e+00 : f32
    %max3A_704 = vector.broadcast %max3A_703 : f32 to vector<400x64xf32>
    %max3A_705 = arith.maximumf %add3A_702, %max3A_704 : vector<400x64xf32>
    %dot_general3A_706 = arith.constant dense<0.000000e+00> : vector<400x64xf32>
    %dot_general3A_707 = tpu.matmul %max3A_705, %get3A_15, %dot_general3A_706 {dimension_numbers = #tpu.dot_dimension_numbers<[1], [0], [0], [1], [0, 0, 1, 1], [], []>, transpose_lhs_hint = false} : vector<400x64xf32>, vector<64x64xf32>, vector<400x64xf32> -> vector<400x64xf32>
    %add3A_708 = vector.broadcast %broadcast_in_dim3A_18 : vector<1x64xf32> to vector<400x64xf32>
    %add3A_709 = arith.addf %dot_general3A_707, %add3A_708 : vector<400x64xf32>
    %add3A_710 = arith.addf %dot_general3A_46, %add3A_709 : vector<400x64xf32>
    %add3A_711 = arith.addf %dot_general3A_174, %add3A_709 : vector<400x64xf32>
    %mul3A_712 = arith.mulf %dot_general3A_22, %add3A_710 : vector<400x64xf32>
    %dot_general3A_713 = arith.constant dense<0.000000e+00> : vector<400x64xf32>
    %dot_general3A_714 = tpu.matmul %mul3A_712, %get3A_21, %dot_general3A_713 {dimension_numbers = #tpu.dot_dimension_numbers<[1], [0], [0], [1], [0, 0, 1, 1], [], []>, transpose_lhs_hint = false} : vector<400x64xf32>, vector<64x64xf32>, vector<400x64xf32> -> vector<400x64xf32>
    %exp3A_715 = math.exp %dot_general3A_714 : vector<400x64xf32>
    %add3A_716 = arith.addf %add3A_693, %exp3A_715 : vector<400x64xf32>
    %mul3A_717 = arith.mulf %exp3A_715, %add3A_711 : vector<400x64xf32>
    %add3A_718 = arith.addf %add3A_695, %mul3A_717 : vector<400x64xf32>
    %get3A_719 = arith.constant 192 : index
    %get3A_720 = arith.constant 0 : index
    %get3A_721 = vector.load %arg6[%get3A_719, %get3A_720] : memref<1024x64xf32, #tpu.memory_space<vmem>>, vector<64x64xf32>
    %dot_general3A_722 = arith.constant dense<0.000000e+00> : vector<400x64xf32>
    %dot_general3A_723 = tpu.matmul %add3A_647, %get3A_721, %dot_general3A_722 {dimension_numbers = #tpu.dot_dimension_numbers<[1], [0], [0], [1], [0, 0, 1, 1], [], []>, transpose_lhs_hint = false} : vector<400x64xf32>, vector<64x64xf32>, vector<400x64xf32> -> vector<400x64xf32>
    %add3A_724 = vector.broadcast %broadcast_in_dim3A : vector<1x64xf32> to vector<400x64xf32>
    %add3A_725 = arith.addf %dot_general3A_723, %add3A_724 : vector<400x64xf32>
    %max3A_726 = arith.constant 0.000000e+00 : f32
    %max3A_727 = vector.broadcast %max3A_726 : f32 to vector<400x64xf32>
    %max3A_728 = arith.maximumf %add3A_725, %max3A_727 : vector<400x64xf32>
    %dot_general3A_729 = arith.constant dense<0.000000e+00> : vector<400x64xf32>
    %dot_general3A_730 = tpu.matmul %max3A_728, %get3A_15, %dot_general3A_729 {dimension_numbers = #tpu.dot_dimension_numbers<[1], [0], [0], [1], [0, 0, 1, 1], [], []>, transpose_lhs_hint = false} : vector<400x64xf32>, vector<64x64xf32>, vector<400x64xf32> -> vector<400x64xf32>
    %add3A_731 = vector.broadcast %broadcast_in_dim3A_18 : vector<1x64xf32> to vector<400x64xf32>
    %add3A_732 = arith.addf %dot_general3A_730, %add3A_731 : vector<400x64xf32>
    %add3A_733 = arith.addf %dot_general3A_54, %add3A_732 : vector<400x64xf32>
    %add3A_734 = arith.addf %dot_general3A_182, %add3A_732 : vector<400x64xf32>
    %mul3A_735 = arith.mulf %dot_general3A_22, %add3A_733 : vector<400x64xf32>
    %dot_general3A_736 = arith.constant dense<0.000000e+00> : vector<400x64xf32>
    %dot_general3A_737 = tpu.matmul %mul3A_735, %get3A_21, %dot_general3A_736 {dimension_numbers = #tpu.dot_dimension_numbers<[1], [0], [0], [1], [0, 0, 1, 1], [], []>, transpose_lhs_hint = false} : vector<400x64xf32>, vector<64x64xf32>, vector<400x64xf32> -> vector<400x64xf32>
    %exp3A_738 = math.exp %dot_general3A_737 : vector<400x64xf32>
    %add3A_739 = arith.addf %add3A_716, %exp3A_738 : vector<400x64xf32>
    %mul3A_740 = arith.mulf %exp3A_738, %add3A_734 : vector<400x64xf32>
    %add3A_741 = arith.addf %add3A_718, %mul3A_740 : vector<400x64xf32>
    %get3A_742 = arith.constant 256 : index
    %get3A_743 = arith.constant 0 : index
    %get3A_744 = vector.load %arg6[%get3A_742, %get3A_743] : memref<1024x64xf32, #tpu.memory_space<vmem>>, vector<64x64xf32>
    %dot_general3A_745 = arith.constant dense<0.000000e+00> : vector<400x64xf32>
    %dot_general3A_746 = tpu.matmul %add3A_647, %get3A_744, %dot_general3A_745 {dimension_numbers = #tpu.dot_dimension_numbers<[1], [0], [0], [1], [0, 0, 1, 1], [], []>, transpose_lhs_hint = false} : vector<400x64xf32>, vector<64x64xf32>, vector<400x64xf32> -> vector<400x64xf32>
    %add3A_747 = vector.broadcast %broadcast_in_dim3A : vector<1x64xf32> to vector<400x64xf32>
    %add3A_748 = arith.addf %dot_general3A_746, %add3A_747 : vector<400x64xf32>
    %max3A_749 = arith.constant 0.000000e+00 : f32
    %max3A_750 = vector.broadcast %max3A_749 : f32 to vector<400x64xf32>
    %max3A_751 = arith.maximumf %add3A_748, %max3A_750 : vector<400x64xf32>
    %dot_general3A_752 = arith.constant dense<0.000000e+00> : vector<400x64xf32>
    %dot_general3A_753 = tpu.matmul %max3A_751, %get3A_15, %dot_general3A_752 {dimension_numbers = #tpu.dot_dimension_numbers<[1], [0], [0], [1], [0, 0, 1, 1], [], []>, transpose_lhs_hint = false} : vector<400x64xf32>, vector<64x64xf32>, vector<400x64xf32> -> vector<400x64xf32>
    %add3A_754 = vector.broadcast %broadcast_in_dim3A_18 : vector<1x64xf32> to vector<400x64xf32>
    %add3A_755 = arith.addf %dot_general3A_753, %add3A_754 : vector<400x64xf32>
    %add3A_756 = arith.addf %dot_general3A_62, %add3A_755 : vector<400x64xf32>
    %add3A_757 = arith.addf %dot_general3A_190, %add3A_755 : vector<400x64xf32>
    %mul3A_758 = arith.mulf %dot_general3A_22, %add3A_756 : vector<400x64xf32>
    %dot_general3A_759 = arith.constant dense<0.000000e+00> : vector<400x64xf32>
    %dot_general3A_760 = tpu.matmul %mul3A_758, %get3A_21, %dot_general3A_759 {dimension_numbers = #tpu.dot_dimension_numbers<[1], [0], [0], [1], [0, 0, 1, 1], [], []>, transpose_lhs_hint = false} : vector<400x64xf32>, vector<64x64xf32>, vector<400x64xf32> -> vector<400x64xf32>
    %exp3A_761 = math.exp %dot_general3A_760 : vector<400x64xf32>
    %add3A_762 = arith.addf %add3A_739, %exp3A_761 : vector<400x64xf32>
    %mul3A_763 = arith.mulf %exp3A_761, %add3A_757 : vector<400x64xf32>
    %add3A_764 = arith.addf %add3A_741, %mul3A_763 : vector<400x64xf32>
    %get3A_765 = arith.constant 320 : index
    %get3A_766 = arith.constant 0 : index
    %get3A_767 = vector.load %arg6[%get3A_765, %get3A_766] : memref<1024x64xf32, #tpu.memory_space<vmem>>, vector<64x64xf32>
    %dot_general3A_768 = arith.constant dense<0.000000e+00> : vector<400x64xf32>
    %dot_general3A_769 = tpu.matmul %add3A_647, %get3A_767, %dot_general3A_768 {dimension_numbers = #tpu.dot_dimension_numbers<[1], [0], [0], [1], [0, 0, 1, 1], [], []>, transpose_lhs_hint = false} : vector<400x64xf32>, vector<64x64xf32>, vector<400x64xf32> -> vector<400x64xf32>
    %add3A_770 = vector.broadcast %broadcast_in_dim3A : vector<1x64xf32> to vector<400x64xf32>
    %add3A_771 = arith.addf %dot_general3A_769, %add3A_770 : vector<400x64xf32>
    %max3A_772 = arith.constant 0.000000e+00 : f32
    %max3A_773 = vector.broadcast %max3A_772 : f32 to vector<400x64xf32>
    %max3A_774 = arith.maximumf %add3A_771, %max3A_773 : vector<400x64xf32>
    %dot_general3A_775 = arith.constant dense<0.000000e+00> : vector<400x64xf32>
    %dot_general3A_776 = tpu.matmul %max3A_774, %get3A_15, %dot_general3A_775 {dimension_numbers = #tpu.dot_dimension_numbers<[1], [0], [0], [1], [0, 0, 1, 1], [], []>, transpose_lhs_hint = false} : vector<400x64xf32>, vector<64x64xf32>, vector<400x64xf32> -> vector<400x64xf32>
    %add3A_777 = vector.broadcast %broadcast_in_dim3A_18 : vector<1x64xf32> to vector<400x64xf32>
    %add3A_778 = arith.addf %dot_general3A_776, %add3A_777 : vector<400x64xf32>
    %add3A_779 = arith.addf %dot_general3A_70, %add3A_778 : vector<400x64xf32>
    %add3A_780 = arith.addf %dot_general3A_198, %add3A_778 : vector<400x64xf32>
    %mul3A_781 = arith.mulf %dot_general3A_22, %add3A_779 : vector<400x64xf32>
    %dot_general3A_782 = arith.constant dense<0.000000e+00> : vector<400x64xf32>
    %dot_general3A_783 = tpu.matmul %mul3A_781, %get3A_21, %dot_general3A_782 {dimension_numbers = #tpu.dot_dimension_numbers<[1], [0], [0], [1], [0, 0, 1, 1], [], []>, transpose_lhs_hint = false} : vector<400x64xf32>, vector<64x64xf32>, vector<400x64xf32> -> vector<400x64xf32>
    %exp3A_784 = math.exp %dot_general3A_783 : vector<400x64xf32>
    %add3A_785 = arith.addf %add3A_762, %exp3A_784 : vector<400x64xf32>
    %mul3A_786 = arith.mulf %exp3A_784, %add3A_780 : vector<400x64xf32>
    %add3A_787 = arith.addf %add3A_764, %mul3A_786 : vector<400x64xf32>
    %get3A_788 = arith.constant 384 : index
    %get3A_789 = arith.constant 0 : index
    %get3A_790 = vector.load %arg6[%get3A_788, %get3A_789] : memref<1024x64xf32, #tpu.memory_space<vmem>>, vector<64x64xf32>
    %dot_general3A_791 = arith.constant dense<0.000000e+00> : vector<400x64xf32>
    %dot_general3A_792 = tpu.matmul %add3A_647, %get3A_790, %dot_general3A_791 {dimension_numbers = #tpu.dot_dimension_numbers<[1], [0], [0], [1], [0, 0, 1, 1], [], []>, transpose_lhs_hint = false} : vector<400x64xf32>, vector<64x64xf32>, vector<400x64xf32> -> vector<400x64xf32>
    %add3A_793 = vector.broadcast %broadcast_in_dim3A : vector<1x64xf32> to vector<400x64xf32>
    %add3A_794 = arith.addf %dot_general3A_792, %add3A_793 : vector<400x64xf32>
    %max3A_795 = arith.constant 0.000000e+00 : f32
    %max3A_796 = vector.broadcast %max3A_795 : f32 to vector<400x64xf32>
    %max3A_797 = arith.maximumf %add3A_794, %max3A_796 : vector<400x64xf32>
    %dot_general3A_798 = arith.constant dense<0.000000e+00> : vector<400x64xf32>
    %dot_general3A_799 = tpu.matmul %max3A_797, %get3A_15, %dot_general3A_798 {dimension_numbers = #tpu.dot_dimension_numbers<[1], [0], [0], [1], [0, 0, 1, 1], [], []>, transpose_lhs_hint = false} : vector<400x64xf32>, vector<64x64xf32>, vector<400x64xf32> -> vector<400x64xf32>
    %add3A_800 = vector.broadcast %broadcast_in_dim3A_18 : vector<1x64xf32> to vector<400x64xf32>
    %add3A_801 = arith.addf %dot_general3A_799, %add3A_800 : vector<400x64xf32>
    %add3A_802 = arith.addf %dot_general3A_78, %add3A_801 : vector<400x64xf32>
    %add3A_803 = arith.addf %dot_general3A_206, %add3A_801 : vector<400x64xf32>
    %mul3A_804 = arith.mulf %dot_general3A_22, %add3A_802 : vector<400x64xf32>
    %dot_general3A_805 = arith.constant dense<0.000000e+00> : vector<400x64xf32>
    %dot_general3A_806 = tpu.matmul %mul3A_804, %get3A_21, %dot_general3A_805 {dimension_numbers = #tpu.dot_dimension_numbers<[1], [0], [0], [1], [0, 0, 1, 1], [], []>, transpose_lhs_hint = false} : vector<400x64xf32>, vector<64x64xf32>, vector<400x64xf32> -> vector<400x64xf32>
    %exp3A_807 = math.exp %dot_general3A_806 : vector<400x64xf32>
    %add3A_808 = arith.addf %add3A_785, %exp3A_807 : vector<400x64xf32>
    %mul3A_809 = arith.mulf %exp3A_807, %add3A_803 : vector<400x64xf32>
    %add3A_810 = arith.addf %add3A_787, %mul3A_809 : vector<400x64xf32>
    %get3A_811 = arith.constant 448 : index
    %get3A_812 = arith.constant 0 : index
    %get3A_813 = vector.load %arg6[%get3A_811, %get3A_812] : memref<1024x64xf32, #tpu.memory_space<vmem>>, vector<64x64xf32>
    %dot_general3A_814 = arith.constant dense<0.000000e+00> : vector<400x64xf32>
    %dot_general3A_815 = tpu.matmul %add3A_647, %get3A_813, %dot_general3A_814 {dimension_numbers = #tpu.dot_dimension_numbers<[1], [0], [0], [1], [0, 0, 1, 1], [], []>, transpose_lhs_hint = false} : vector<400x64xf32>, vector<64x64xf32>, vector<400x64xf32> -> vector<400x64xf32>
    %add3A_816 = vector.broadcast %broadcast_in_dim3A : vector<1x64xf32> to vector<400x64xf32>
    %add3A_817 = arith.addf %dot_general3A_815, %add3A_816 : vector<400x64xf32>
    %max3A_818 = arith.constant 0.000000e+00 : f32
    %max3A_819 = vector.broadcast %max3A_818 : f32 to vector<400x64xf32>
    %max3A_820 = arith.maximumf %add3A_817, %max3A_819 : vector<400x64xf32>
    %dot_general3A_821 = arith.constant dense<0.000000e+00> : vector<400x64xf32>
    %dot_general3A_822 = tpu.matmul %max3A_820, %get3A_15, %dot_general3A_821 {dimension_numbers = #tpu.dot_dimension_numbers<[1], [0], [0], [1], [0, 0, 1, 1], [], []>, transpose_lhs_hint = false} : vector<400x64xf32>, vector<64x64xf32>, vector<400x64xf32> -> vector<400x64xf32>
    %add3A_823 = vector.broadcast %broadcast_in_dim3A_18 : vector<1x64xf32> to vector<400x64xf32>
    %add3A_824 = arith.addf %dot_general3A_822, %add3A_823 : vector<400x64xf32>
    %add3A_825 = arith.addf %dot_general3A_86, %add3A_824 : vector<400x64xf32>
    %add3A_826 = arith.addf %dot_general3A_214, %add3A_824 : vector<400x64xf32>
    %mul3A_827 = arith.mulf %dot_general3A_22, %add3A_825 : vector<400x64xf32>
    %dot_general3A_828 = arith.constant dense<0.000000e+00> : vector<400x64xf32>
    %dot_general3A_829 = tpu.matmul %mul3A_827, %get3A_21, %dot_general3A_828 {dimension_numbers = #tpu.dot_dimension_numbers<[1], [0], [0], [1], [0, 0, 1, 1], [], []>, transpose_lhs_hint = false} : vector<400x64xf32>, vector<64x64xf32>, vector<400x64xf32> -> vector<400x64xf32>
    %exp3A_830 = math.exp %dot_general3A_829 : vector<400x64xf32>
    %add3A_831 = arith.addf %add3A_808, %exp3A_830 : vector<400x64xf32>
    %mul3A_832 = arith.mulf %exp3A_830, %add3A_826 : vector<400x64xf32>
    %add3A_833 = arith.addf %add3A_810, %mul3A_832 : vector<400x64xf32>
    %get3A_834 = arith.constant 512 : index
    %get3A_835 = arith.constant 0 : index
    %get3A_836 = vector.load %arg6[%get3A_834, %get3A_835] : memref<1024x64xf32, #tpu.memory_space<vmem>>, vector<64x64xf32>
    %dot_general3A_837 = arith.constant dense<0.000000e+00> : vector<400x64xf32>
    %dot_general3A_838 = tpu.matmul %add3A_647, %get3A_836, %dot_general3A_837 {dimension_numbers = #tpu.dot_dimension_numbers<[1], [0], [0], [1], [0, 0, 1, 1], [], []>, transpose_lhs_hint = false} : vector<400x64xf32>, vector<64x64xf32>, vector<400x64xf32> -> vector<400x64xf32>
    %add3A_839 = vector.broadcast %broadcast_in_dim3A : vector<1x64xf32> to vector<400x64xf32>
    %add3A_840 = arith.addf %dot_general3A_838, %add3A_839 : vector<400x64xf32>
    %max3A_841 = arith.constant 0.000000e+00 : f32
    %max3A_842 = vector.broadcast %max3A_841 : f32 to vector<400x64xf32>
    %max3A_843 = arith.maximumf %add3A_840, %max3A_842 : vector<400x64xf32>
    %dot_general3A_844 = arith.constant dense<0.000000e+00> : vector<400x64xf32>
    %dot_general3A_845 = tpu.matmul %max3A_843, %get3A_15, %dot_general3A_844 {dimension_numbers = #tpu.dot_dimension_numbers<[1], [0], [0], [1], [0, 0, 1, 1], [], []>, transpose_lhs_hint = false} : vector<400x64xf32>, vector<64x64xf32>, vector<400x64xf32> -> vector<400x64xf32>
    %add3A_846 = vector.broadcast %broadcast_in_dim3A_18 : vector<1x64xf32> to vector<400x64xf32>
    %add3A_847 = arith.addf %dot_general3A_845, %add3A_846 : vector<400x64xf32>
    %add3A_848 = arith.addf %dot_general3A_94, %add3A_847 : vector<400x64xf32>
    %add3A_849 = arith.addf %dot_general3A_222, %add3A_847 : vector<400x64xf32>
    %mul3A_850 = arith.mulf %dot_general3A_22, %add3A_848 : vector<400x64xf32>
    %dot_general3A_851 = arith.constant dense<0.000000e+00> : vector<400x64xf32>
    %dot_general3A_852 = tpu.matmul %mul3A_850, %get3A_21, %dot_general3A_851 {dimension_numbers = #tpu.dot_dimension_numbers<[1], [0], [0], [1], [0, 0, 1, 1], [], []>, transpose_lhs_hint = false} : vector<400x64xf32>, vector<64x64xf32>, vector<400x64xf32> -> vector<400x64xf32>
    %exp3A_853 = math.exp %dot_general3A_852 : vector<400x64xf32>
    %add3A_854 = arith.addf %add3A_831, %exp3A_853 : vector<400x64xf32>
    %mul3A_855 = arith.mulf %exp3A_853, %add3A_849 : vector<400x64xf32>
    %add3A_856 = arith.addf %add3A_833, %mul3A_855 : vector<400x64xf32>
    %get3A_857 = arith.constant 576 : index
    %get3A_858 = arith.constant 0 : index
    %get3A_859 = vector.load %arg6[%get3A_857, %get3A_858] : memref<1024x64xf32, #tpu.memory_space<vmem>>, vector<64x64xf32>
    %dot_general3A_860 = arith.constant dense<0.000000e+00> : vector<400x64xf32>
    %dot_general3A_861 = tpu.matmul %add3A_647, %get3A_859, %dot_general3A_860 {dimension_numbers = #tpu.dot_dimension_numbers<[1], [0], [0], [1], [0, 0, 1, 1], [], []>, transpose_lhs_hint = false} : vector<400x64xf32>, vector<64x64xf32>, vector<400x64xf32> -> vector<400x64xf32>
    %add3A_862 = vector.broadcast %broadcast_in_dim3A : vector<1x64xf32> to vector<400x64xf32>
    %add3A_863 = arith.addf %dot_general3A_861, %add3A_862 : vector<400x64xf32>
    %max3A_864 = arith.constant 0.000000e+00 : f32
    %max3A_865 = vector.broadcast %max3A_864 : f32 to vector<400x64xf32>
    %max3A_866 = arith.maximumf %add3A_863, %max3A_865 : vector<400x64xf32>
    %dot_general3A_867 = arith.constant dense<0.000000e+00> : vector<400x64xf32>
    %dot_general3A_868 = tpu.matmul %max3A_866, %get3A_15, %dot_general3A_867 {dimension_numbers = #tpu.dot_dimension_numbers<[1], [0], [0], [1], [0, 0, 1, 1], [], []>, transpose_lhs_hint = false} : vector<400x64xf32>, vector<64x64xf32>, vector<400x64xf32> -> vector<400x64xf32>
    %add3A_869 = vector.broadcast %broadcast_in_dim3A_18 : vector<1x64xf32> to vector<400x64xf32>
    %add3A_870 = arith.addf %dot_general3A_868, %add3A_869 : vector<400x64xf32>
    %add3A_871 = arith.addf %dot_general3A_102, %add3A_870 : vector<400x64xf32>
    %add3A_872 = arith.addf %dot_general3A_230, %add3A_870 : vector<400x64xf32>
    %mul3A_873 = arith.mulf %dot_general3A_22, %add3A_871 : vector<400x64xf32>
    %dot_general3A_874 = arith.constant dense<0.000000e+00> : vector<400x64xf32>
    %dot_general3A_875 = tpu.matmul %mul3A_873, %get3A_21, %dot_general3A_874 {dimension_numbers = #tpu.dot_dimension_numbers<[1], [0], [0], [1], [0, 0, 1, 1], [], []>, transpose_lhs_hint = false} : vector<400x64xf32>, vector<64x64xf32>, vector<400x64xf32> -> vector<400x64xf32>
    %exp3A_876 = math.exp %dot_general3A_875 : vector<400x64xf32>
    %add3A_877 = arith.addf %add3A_854, %exp3A_876 : vector<400x64xf32>
    %mul3A_878 = arith.mulf %exp3A_876, %add3A_872 : vector<400x64xf32>
    %add3A_879 = arith.addf %add3A_856, %mul3A_878 : vector<400x64xf32>
    %get3A_880 = arith.constant 640 : index
    %get3A_881 = arith.constant 0 : index
    %get3A_882 = vector.load %arg6[%get3A_880, %get3A_881] : memref<1024x64xf32, #tpu.memory_space<vmem>>, vector<64x64xf32>
    %dot_general3A_883 = arith.constant dense<0.000000e+00> : vector<400x64xf32>
    %dot_general3A_884 = tpu.matmul %add3A_647, %get3A_882, %dot_general3A_883 {dimension_numbers = #tpu.dot_dimension_numbers<[1], [0], [0], [1], [0, 0, 1, 1], [], []>, transpose_lhs_hint = false} : vector<400x64xf32>, vector<64x64xf32>, vector<400x64xf32> -> vector<400x64xf32>
    %add3A_885 = vector.broadcast %broadcast_in_dim3A : vector<1x64xf32> to vector<400x64xf32>
    %add3A_886 = arith.addf %dot_general3A_884, %add3A_885 : vector<400x64xf32>
    %max3A_887 = arith.constant 0.000000e+00 : f32
    %max3A_888 = vector.broadcast %max3A_887 : f32 to vector<400x64xf32>
    %max3A_889 = arith.maximumf %add3A_886, %max3A_888 : vector<400x64xf32>
    %dot_general3A_890 = arith.constant dense<0.000000e+00> : vector<400x64xf32>
    %dot_general3A_891 = tpu.matmul %max3A_889, %get3A_15, %dot_general3A_890 {dimension_numbers = #tpu.dot_dimension_numbers<[1], [0], [0], [1], [0, 0, 1, 1], [], []>, transpose_lhs_hint = false} : vector<400x64xf32>, vector<64x64xf32>, vector<400x64xf32> -> vector<400x64xf32>
    %add3A_892 = vector.broadcast %broadcast_in_dim3A_18 : vector<1x64xf32> to vector<400x64xf32>
    %add3A_893 = arith.addf %dot_general3A_891, %add3A_892 : vector<400x64xf32>
    %add3A_894 = arith.addf %dot_general3A_110, %add3A_893 : vector<400x64xf32>
    %add3A_895 = arith.addf %dot_general3A_238, %add3A_893 : vector<400x64xf32>
    %mul3A_896 = arith.mulf %dot_general3A_22, %add3A_894 : vector<400x64xf32>
    %dot_general3A_897 = arith.constant dense<0.000000e+00> : vector<400x64xf32>
    %dot_general3A_898 = tpu.matmul %mul3A_896, %get3A_21, %dot_general3A_897 {dimension_numbers = #tpu.dot_dimension_numbers<[1], [0], [0], [1], [0, 0, 1, 1], [], []>, transpose_lhs_hint = false} : vector<400x64xf32>, vector<64x64xf32>, vector<400x64xf32> -> vector<400x64xf32>
    %exp3A_899 = math.exp %dot_general3A_898 : vector<400x64xf32>
    %add3A_900 = arith.addf %add3A_877, %exp3A_899 : vector<400x64xf32>
    %mul3A_901 = arith.mulf %exp3A_899, %add3A_895 : vector<400x64xf32>
    %add3A_902 = arith.addf %add3A_879, %mul3A_901 : vector<400x64xf32>
    %get3A_903 = arith.constant 704 : index
    %get3A_904 = arith.constant 0 : index
    %get3A_905 = vector.load %arg6[%get3A_903, %get3A_904] : memref<1024x64xf32, #tpu.memory_space<vmem>>, vector<64x64xf32>
    %dot_general3A_906 = arith.constant dense<0.000000e+00> : vector<400x64xf32>
    %dot_general3A_907 = tpu.matmul %add3A_647, %get3A_905, %dot_general3A_906 {dimension_numbers = #tpu.dot_dimension_numbers<[1], [0], [0], [1], [0, 0, 1, 1], [], []>, transpose_lhs_hint = false} : vector<400x64xf32>, vector<64x64xf32>, vector<400x64xf32> -> vector<400x64xf32>
    %add3A_908 = vector.broadcast %broadcast_in_dim3A : vector<1x64xf32> to vector<400x64xf32>
    %add3A_909 = arith.addf %dot_general3A_907, %add3A_908 : vector<400x64xf32>
    %max3A_910 = arith.constant 0.000000e+00 : f32
    %max3A_911 = vector.broadcast %max3A_910 : f32 to vector<400x64xf32>
    %max3A_912 = arith.maximumf %add3A_909, %max3A_911 : vector<400x64xf32>
    %dot_general3A_913 = arith.constant dense<0.000000e+00> : vector<400x64xf32>
    %dot_general3A_914 = tpu.matmul %max3A_912, %get3A_15, %dot_general3A_913 {dimension_numbers = #tpu.dot_dimension_numbers<[1], [0], [0], [1], [0, 0, 1, 1], [], []>, transpose_lhs_hint = false} : vector<400x64xf32>, vector<64x64xf32>, vector<400x64xf32> -> vector<400x64xf32>
    %add3A_915 = vector.broadcast %broadcast_in_dim3A_18 : vector<1x64xf32> to vector<400x64xf32>
    %add3A_916 = arith.addf %dot_general3A_914, %add3A_915 : vector<400x64xf32>
    %add3A_917 = arith.addf %dot_general3A_118, %add3A_916 : vector<400x64xf32>
    %add3A_918 = arith.addf %dot_general3A_246, %add3A_916 : vector<400x64xf32>
    %mul3A_919 = arith.mulf %dot_general3A_22, %add3A_917 : vector<400x64xf32>
    %dot_general3A_920 = arith.constant dense<0.000000e+00> : vector<400x64xf32>
    %dot_general3A_921 = tpu.matmul %mul3A_919, %get3A_21, %dot_general3A_920 {dimension_numbers = #tpu.dot_dimension_numbers<[1], [0], [0], [1], [0, 0, 1, 1], [], []>, transpose_lhs_hint = false} : vector<400x64xf32>, vector<64x64xf32>, vector<400x64xf32> -> vector<400x64xf32>
    %exp3A_922 = math.exp %dot_general3A_921 : vector<400x64xf32>
    %add3A_923 = arith.addf %add3A_900, %exp3A_922 : vector<400x64xf32>
    %mul3A_924 = arith.mulf %exp3A_922, %add3A_918 : vector<400x64xf32>
    %add3A_925 = arith.addf %add3A_902, %mul3A_924 : vector<400x64xf32>
    %get3A_926 = arith.constant 768 : index
    %get3A_927 = arith.constant 0 : index
    %get3A_928 = vector.load %arg6[%get3A_926, %get3A_927] : memref<1024x64xf32, #tpu.memory_space<vmem>>, vector<64x64xf32>
    %dot_general3A_929 = arith.constant dense<0.000000e+00> : vector<400x64xf32>
    %dot_general3A_930 = tpu.matmul %add3A_647, %get3A_928, %dot_general3A_929 {dimension_numbers = #tpu.dot_dimension_numbers<[1], [0], [0], [1], [0, 0, 1, 1], [], []>, transpose_lhs_hint = false} : vector<400x64xf32>, vector<64x64xf32>, vector<400x64xf32> -> vector<400x64xf32>
    %add3A_931 = vector.broadcast %broadcast_in_dim3A : vector<1x64xf32> to vector<400x64xf32>
    %add3A_932 = arith.addf %dot_general3A_930, %add3A_931 : vector<400x64xf32>
    %max3A_933 = arith.constant 0.000000e+00 : f32
    %max3A_934 = vector.broadcast %max3A_933 : f32 to vector<400x64xf32>
    %max3A_935 = arith.maximumf %add3A_932, %max3A_934 : vector<400x64xf32>
    %dot_general3A_936 = arith.constant dense<0.000000e+00> : vector<400x64xf32>
    %dot_general3A_937 = tpu.matmul %max3A_935, %get3A_15, %dot_general3A_936 {dimension_numbers = #tpu.dot_dimension_numbers<[1], [0], [0], [1], [0, 0, 1, 1], [], []>, transpose_lhs_hint = false} : vector<400x64xf32>, vector<64x64xf32>, vector<400x64xf32> -> vector<400x64xf32>
    %add3A_938 = vector.broadcast %broadcast_in_dim3A_18 : vector<1x64xf32> to vector<400x64xf32>
    %add3A_939 = arith.addf %dot_general3A_937, %add3A_938 : vector<400x64xf32>
    %add3A_940 = arith.addf %dot_general3A_126, %add3A_939 : vector<400x64xf32>
    %add3A_941 = arith.addf %dot_general3A_254, %add3A_939 : vector<400x64xf32>
    %mul3A_942 = arith.mulf %dot_general3A_22, %add3A_940 : vector<400x64xf32>
    %dot_general3A_943 = arith.constant dense<0.000000e+00> : vector<400x64xf32>
    %dot_general3A_944 = tpu.matmul %mul3A_942, %get3A_21, %dot_general3A_943 {dimension_numbers = #tpu.dot_dimension_numbers<[1], [0], [0], [1], [0, 0, 1, 1], [], []>, transpose_lhs_hint = false} : vector<400x64xf32>, vector<64x64xf32>, vector<400x64xf32> -> vector<400x64xf32>
    %exp3A_945 = math.exp %dot_general3A_944 : vector<400x64xf32>
    %add3A_946 = arith.addf %add3A_923, %exp3A_945 : vector<400x64xf32>
    %mul3A_947 = arith.mulf %exp3A_945, %add3A_941 : vector<400x64xf32>
    %add3A_948 = arith.addf %add3A_925, %mul3A_947 : vector<400x64xf32>
    %get3A_949 = arith.constant 832 : index
    %get3A_950 = arith.constant 0 : index
    %get3A_951 = vector.load %arg6[%get3A_949, %get3A_950] : memref<1024x64xf32, #tpu.memory_space<vmem>>, vector<64x64xf32>
    %dot_general3A_952 = arith.constant dense<0.000000e+00> : vector<400x64xf32>
    %dot_general3A_953 = tpu.matmul %add3A_647, %get3A_951, %dot_general3A_952 {dimension_numbers = #tpu.dot_dimension_numbers<[1], [0], [0], [1], [0, 0, 1, 1], [], []>, transpose_lhs_hint = false} : vector<400x64xf32>, vector<64x64xf32>, vector<400x64xf32> -> vector<400x64xf32>
    %add3A_954 = vector.broadcast %broadcast_in_dim3A : vector<1x64xf32> to vector<400x64xf32>
    %add3A_955 = arith.addf %dot_general3A_953, %add3A_954 : vector<400x64xf32>
    %max3A_956 = arith.constant 0.000000e+00 : f32
    %max3A_957 = vector.broadcast %max3A_956 : f32 to vector<400x64xf32>
    %max3A_958 = arith.maximumf %add3A_955, %max3A_957 : vector<400x64xf32>
    %dot_general3A_959 = arith.constant dense<0.000000e+00> : vector<400x64xf32>
    %dot_general3A_960 = tpu.matmul %max3A_958, %get3A_15, %dot_general3A_959 {dimension_numbers = #tpu.dot_dimension_numbers<[1], [0], [0], [1], [0, 0, 1, 1], [], []>, transpose_lhs_hint = false} : vector<400x64xf32>, vector<64x64xf32>, vector<400x64xf32> -> vector<400x64xf32>
    %add3A_961 = vector.broadcast %broadcast_in_dim3A_18 : vector<1x64xf32> to vector<400x64xf32>
    %add3A_962 = arith.addf %dot_general3A_960, %add3A_961 : vector<400x64xf32>
    %add3A_963 = arith.addf %dot_general3A_134, %add3A_962 : vector<400x64xf32>
    %add3A_964 = arith.addf %dot_general3A_262, %add3A_962 : vector<400x64xf32>
    %mul3A_965 = arith.mulf %dot_general3A_22, %add3A_963 : vector<400x64xf32>
    %dot_general3A_966 = arith.constant dense<0.000000e+00> : vector<400x64xf32>
    %dot_general3A_967 = tpu.matmul %mul3A_965, %get3A_21, %dot_general3A_966 {dimension_numbers = #tpu.dot_dimension_numbers<[1], [0], [0], [1], [0, 0, 1, 1], [], []>, transpose_lhs_hint = false} : vector<400x64xf32>, vector<64x64xf32>, vector<400x64xf32> -> vector<400x64xf32>
    %exp3A_968 = math.exp %dot_general3A_967 : vector<400x64xf32>
    %add3A_969 = arith.addf %add3A_946, %exp3A_968 : vector<400x64xf32>
    %mul3A_970 = arith.mulf %exp3A_968, %add3A_964 : vector<400x64xf32>
    %add3A_971 = arith.addf %add3A_948, %mul3A_970 : vector<400x64xf32>
    %get3A_972 = arith.constant 896 : index
    %get3A_973 = arith.constant 0 : index
    %get3A_974 = vector.load %arg6[%get3A_972, %get3A_973] : memref<1024x64xf32, #tpu.memory_space<vmem>>, vector<64x64xf32>
    %dot_general3A_975 = arith.constant dense<0.000000e+00> : vector<400x64xf32>
    %dot_general3A_976 = tpu.matmul %add3A_647, %get3A_974, %dot_general3A_975 {dimension_numbers = #tpu.dot_dimension_numbers<[1], [0], [0], [1], [0, 0, 1, 1], [], []>, transpose_lhs_hint = false} : vector<400x64xf32>, vector<64x64xf32>, vector<400x64xf32> -> vector<400x64xf32>
    %add3A_977 = vector.broadcast %broadcast_in_dim3A : vector<1x64xf32> to vector<400x64xf32>
    %add3A_978 = arith.addf %dot_general3A_976, %add3A_977 : vector<400x64xf32>
    %max3A_979 = arith.constant 0.000000e+00 : f32
    %max3A_980 = vector.broadcast %max3A_979 : f32 to vector<400x64xf32>
    %max3A_981 = arith.maximumf %add3A_978, %max3A_980 : vector<400x64xf32>
    %dot_general3A_982 = arith.constant dense<0.000000e+00> : vector<400x64xf32>
    %dot_general3A_983 = tpu.matmul %max3A_981, %get3A_15, %dot_general3A_982 {dimension_numbers = #tpu.dot_dimension_numbers<[1], [0], [0], [1], [0, 0, 1, 1], [], []>, transpose_lhs_hint = false} : vector<400x64xf32>, vector<64x64xf32>, vector<400x64xf32> -> vector<400x64xf32>
    %add3A_984 = vector.broadcast %broadcast_in_dim3A_18 : vector<1x64xf32> to vector<400x64xf32>
    %add3A_985 = arith.addf %dot_general3A_983, %add3A_984 : vector<400x64xf32>
    %add3A_986 = arith.addf %dot_general3A_142, %add3A_985 : vector<400x64xf32>
    %add3A_987 = arith.addf %dot_general3A_270, %add3A_985 : vector<400x64xf32>
    %mul3A_988 = arith.mulf %dot_general3A_22, %add3A_986 : vector<400x64xf32>
    %dot_general3A_989 = arith.constant dense<0.000000e+00> : vector<400x64xf32>
    %dot_general3A_990 = tpu.matmul %mul3A_988, %get3A_21, %dot_general3A_989 {dimension_numbers = #tpu.dot_dimension_numbers<[1], [0], [0], [1], [0, 0, 1, 1], [], []>, transpose_lhs_hint = false} : vector<400x64xf32>, vector<64x64xf32>, vector<400x64xf32> -> vector<400x64xf32>
    %exp3A_991 = math.exp %dot_general3A_990 : vector<400x64xf32>
    %add3A_992 = arith.addf %add3A_969, %exp3A_991 : vector<400x64xf32>
    %mul3A_993 = arith.mulf %exp3A_991, %add3A_987 : vector<400x64xf32>
    %add3A_994 = arith.addf %add3A_971, %mul3A_993 : vector<400x64xf32>
    %get3A_995 = arith.constant 960 : index
    %get3A_996 = arith.constant 0 : index
    %get3A_997 = vector.load %arg6[%get3A_995, %get3A_996] : memref<1024x64xf32, #tpu.memory_space<vmem>>, vector<64x64xf32>
    %dot_general3A_998 = arith.constant dense<0.000000e+00> : vector<400x64xf32>
    %dot_general3A_999 = tpu.matmul %add3A_647, %get3A_997, %dot_general3A_998 {dimension_numbers = #tpu.dot_dimension_numbers<[1], [0], [0], [1], [0, 0, 1, 1], [], []>, transpose_lhs_hint = false} : vector<400x64xf32>, vector<64x64xf32>, vector<400x64xf32> -> vector<400x64xf32>
    %add3A_1000 = vector.broadcast %broadcast_in_dim3A : vector<1x64xf32> to vector<400x64xf32>
    %add3A_1001 = arith.addf %dot_general3A_999, %add3A_1000 : vector<400x64xf32>
    %max3A_1002 = arith.constant 0.000000e+00 : f32
    %max3A_1003 = vector.broadcast %max3A_1002 : f32 to vector<400x64xf32>
    %max3A_1004 = arith.maximumf %add3A_1001, %max3A_1003 : vector<400x64xf32>
    %dot_general3A_1005 = arith.constant dense<0.000000e+00> : vector<400x64xf32>
    %dot_general3A_1006 = tpu.matmul %max3A_1004, %get3A_15, %dot_general3A_1005 {dimension_numbers = #tpu.dot_dimension_numbers<[1], [0], [0], [1], [0, 0, 1, 1], [], []>, transpose_lhs_hint = false} : vector<400x64xf32>, vector<64x64xf32>, vector<400x64xf32> -> vector<400x64xf32>
    %add3A_1007 = vector.broadcast %broadcast_in_dim3A_18 : vector<1x64xf32> to vector<400x64xf32>
    %add3A_1008 = arith.addf %dot_general3A_1006, %add3A_1007 : vector<400x64xf32>
    %add3A_1009 = arith.addf %dot_general3A_150, %add3A_1008 : vector<400x64xf32>
    %add3A_1010 = arith.addf %dot_general3A_278, %add3A_1008 : vector<400x64xf32>
    %mul3A_1011 = arith.mulf %dot_general3A_22, %add3A_1009 : vector<400x64xf32>
    %dot_general3A_1012 = arith.constant dense<0.000000e+00> : vector<400x64xf32>
    %dot_general3A_1013 = tpu.matmul %mul3A_1011, %get3A_21, %dot_general3A_1012 {dimension_numbers = #tpu.dot_dimension_numbers<[1], [0], [0], [1], [0, 0, 1, 1], [], []>, transpose_lhs_hint = false} : vector<400x64xf32>, vector<64x64xf32>, vector<400x64xf32> -> vector<400x64xf32>
    %exp3A_1014 = math.exp %dot_general3A_1013 : vector<400x64xf32>
    %add3A_1015 = arith.addf %add3A_992, %exp3A_1014 : vector<400x64xf32>
    %mul3A_1016 = arith.mulf %exp3A_1014, %add3A_1010 : vector<400x64xf32>
    %add3A_1017 = arith.addf %add3A_994, %mul3A_1016 : vector<400x64xf32>
    %div3A = arith.divf %add3A_1017, %add3A_1015 : vector<400x64xf32>
    %get3A_1018 = arith.constant 0 : index
    %get3A_1019 = arith.constant 0 : index
    %get3A_1020 = vector.load %arg10[%get3A_1018, %get3A_1019] : memref<64x64xf32, #tpu.memory_space<vmem>>, vector<64x64xf32>
    %dot_general3A_1021 = arith.constant dense<0.000000e+00> : vector<400x64xf32>
    %dot_general3A_1022 = tpu.matmul %div3A, %get3A_1020, %dot_general3A_1021 {dimension_numbers = #tpu.dot_dimension_numbers<[1], [0], [0], [1], [0, 0, 1, 1], [], []>, transpose_lhs_hint = false} : vector<400x64xf32>, vector<64x64xf32>, vector<400x64xf32> -> vector<400x64xf32>
    %get3A_1023 = arith.constant 0 : index
    %get3A_1024 = vector.load %arg11[%get3A_1023] : memref<64xf32, #tpu.memory_space<vmem>>, vector<64xf32>
    %broadcast_in_dim3A_1025 = vector.shape_cast %get3A_1024 : vector<64xf32> to vector<1x64xf32>
    %add3A_1026 = vector.broadcast %broadcast_in_dim3A_1025 : vector<1x64xf32> to vector<400x64xf32>
    %add3A_1027 = arith.addf %dot_general3A_1022, %add3A_1026 : vector<400x64xf32>
    %get3A_1028 = arith.constant 0 : index
    %get3A_1029 = arith.constant 0 : index
    %get3A_1030 = vector.load %arg22[%get3A_1028, %get3A_1029] : memref<64x64xf32, #tpu.memory_space<vmem>>, vector<64x64xf32>
    %dot_general3A_1031 = arith.constant dense<0.000000e+00> : vector<400x64xf32>
    %dot_general3A_1032 = tpu.matmul %add3A_1027, %get3A_1030, %dot_general3A_1031 {dimension_numbers = #tpu.dot_dimension_numbers<[1], [0], [0], [1], [0, 0, 1, 1], [], []>, transpose_lhs_hint = false} : vector<400x64xf32>, vector<64x64xf32>, vector<400x64xf32> -> vector<400x64xf32>
    %sub3A_1033 = arith.subf %add3A_1027, %dot_general3A_1032 : vector<400x64xf32>
    %mul3A_1034 = arith.mulf %sub3A_1033, %sub3A_1033 : vector<400x64xf32>
    %get3A_1035 = arith.constant 0 : index
    %get3A_1036 = arith.constant 0 : index
    %get3A_1037 = vector.load %arg22[%get3A_1035, %get3A_1036] : memref<64x64xf32, #tpu.memory_space<vmem>>, vector<64x64xf32>
    %dot_general3A_1038 = arith.constant dense<0.000000e+00> : vector<400x64xf32>
    %dot_general3A_1039 = tpu.matmul %mul3A_1034, %get3A_1037, %dot_general3A_1038 {dimension_numbers = #tpu.dot_dimension_numbers<[1], [0], [0], [1], [0, 0, 1, 1], [], []>, transpose_lhs_hint = false} : vector<400x64xf32>, vector<64x64xf32>, vector<400x64xf32> -> vector<400x64xf32>
    %add3A_1040 = arith.constant 9.99999974E-6 : f32
    %add3A_1041 = vector.broadcast %add3A_1040 : f32 to vector<400x64xf32>
    %add3A_1042 = arith.addf %dot_general3A_1039, %add3A_1041 : vector<400x64xf32>
    %rsqrt3A = math.rsqrt %add3A_1042 : vector<400x64xf32>
    %mul3A_1043 = arith.mulf %sub3A_1033, %rsqrt3A : vector<400x64xf32>
    %get3A_1044 = arith.constant 0 : index
    %get3A_1045 = vector.load %arg12[%get3A_1044] : memref<64xf32, #tpu.memory_space<vmem>>, vector<64xf32>
    %broadcast_in_dim3A_1046 = vector.shape_cast %get3A_1045 : vector<64xf32> to vector<1x64xf32>
    %mul3A_1047 = vector.broadcast %broadcast_in_dim3A_1046 : vector<1x64xf32> to vector<400x64xf32>
    %mul3A_1048 = arith.mulf %mul3A_1043, %mul3A_1047 : vector<400x64xf32>
    %get3A_1049 = arith.constant 0 : index
    %get3A_1050 = vector.load %arg13[%get3A_1049] : memref<64xf32, #tpu.memory_space<vmem>>, vector<64xf32>
    %broadcast_in_dim3A_1051 = vector.shape_cast %get3A_1050 : vector<64xf32> to vector<1x64xf32>
    %add3A_1052 = vector.broadcast %broadcast_in_dim3A_1051 : vector<1x64xf32> to vector<400x64xf32>
    %add3A_1053 = arith.addf %mul3A_1048, %add3A_1052 : vector<400x64xf32>
    %add3A_1054 = arith.addf %add3A_1053, %slice3A : vector<400x64xf32>
    %max3A_1055 = arith.constant 0.000000e+00 : f32
    %max3A_1056 = vector.broadcast %max3A_1055 : f32 to vector<400x64xf32>
    %max3A_1057 = arith.maximumf %add3A_1054, %max3A_1056 : vector<400x64xf32>
    %swap3A = arith.constant 0 : index
    %swap3A_1058 = arith.constant 0 : index
    %swap3A_1059 = vector.load %arg23[%swap3A, %swap3A_1058] : memref<400x64xf32, #tpu.memory_space<vmem>>, vector<400x64xf32>
    tpu.vector_store %arg23[%swap3A, %swap3A_1058], %max3A_1057 {strides = array<i32>} : memref<400x64xf32, #tpu.memory_space<vmem>>, vector<400x64xf32>,
    return
  }
  func.func @transform_0(%arg0: i32) -> (i32, i32, i32) {
    %c0_i32 = arith.constant 0 : i32
    %c0_i32_0 = arith.constant 0 : i32
    %c0_i32_1 = arith.constant 0 : i32
    return %c0_i32, %arg0, %c0_i32_0 : i32, i32, i32
  }
  func.func @transform_1(%arg0: i32) -> (i32, i32) {
    %c0_i32 = arith.constant 0 : i32
    %c0_i32_0 = arith.constant 0 : i32
    return %arg0, %c0_i32 : i32, i32
  }
  func.func @transform_2(%arg0: i32) -> (i32, i32) {
    %c0_i32 = arith.constant 0 : i32
    %c0_i32_0 = arith.constant 0 : i32
    %c0_i32_1 = arith.constant 0 : i32
    return %c0_i32, %c0_i32_0 : i32, i32
  }
  func.func @transform_3(%arg0: i32) -> (i32, i32) {
    %c0_i32 = arith.constant 0 : i32
    %c0_i32_0 = arith.constant 0 : i32
    %c0_i32_1 = arith.constant 0 : i32
    return %c0_i32, %c0_i32_0 : i32, i32
  }
  func.func @transform_4(%arg0: i32) -> (i32, i32) {
    %c0_i32 = arith.constant 0 : i32
    %c0_i32_0 = arith.constant 0 : i32
    %c0_i32_1 = arith.constant 0 : i32
    return %c0_i32, %c0_i32_0 : i32, i32
  }
  func.func @transform_5(%arg0: i32) -> (i32, i32) {
    %c0_i32 = arith.constant 0 : i32
    %c0_i32_0 = arith.constant 0 : i32
    %c0_i32_1 = arith.constant 0 : i32
    return %c0_i32, %c0_i32_0 : i32, i32
  }
  func.func @transform_6(%arg0: i32) -> i32 {
    %c0_i32 = arith.constant 0 : i32
    %c0_i32_0 = arith.constant 0 : i32
    return %c0_i32 : i32
  }
  func.func @transform_7(%arg0: i32) -> (i32, i32) {
    %c0_i32 = arith.constant 0 : i32
    %c0_i32_0 = arith.constant 0 : i32
    %c0_i32_1 = arith.constant 0 : i32
    return %c0_i32, %c0_i32_0 : i32, i32
  }
  func.func @transform_8(%arg0: i32) -> i32 {
    %c0_i32 = arith.constant 0 : i32
    %c0_i32_0 = arith.constant 0 : i32
    return %c0_i32 : i32
  }
  func.func @transform_9(%arg0: i32) -> (i32, i32) {
    %c0_i32 = arith.constant 0 : i32
    %c0_i32_0 = arith.constant 0 : i32
    %c0_i32_1 = arith.constant 0 : i32
    return %c0_i32, %c0_i32_0 : i32, i32
  }
  func.func @transform_10(%arg0: i32) -> i32 {
    %c0_i32 = arith.constant 0 : i32
    %c0_i32_0 = arith.constant 0 : i32
    return %c0_i32 : i32
  }
  func.func @transform_11(%arg0: i32) -> i32 {
    %c0_i32 = arith.constant 0 : i32
    %c0_i32_0 = arith.constant 0 : i32
    return %c0_i32 : i32
  }
  func.func @transform_12(%arg0: i32) -> i32 {
    %c0_i32 = arith.constant 0 : i32
    %c0_i32_0 = arith.constant 0 : i32
    return %c0_i32 : i32
  }
  func.func @transform_13(%arg0: i32) -> (i32, i32) {
    %c0_i32 = arith.constant 0 : i32
    %c0_i32_0 = arith.constant 0 : i32
    %c0_i32_1 = arith.constant 0 : i32
    return %c0_i32, %c0_i32_0 : i32, i32
  }
  func.func @transform_14(%arg0: i32) -> (i32, i32) {
    %c0_i32 = arith.constant 0 : i32
    %c0_i32_0 = arith.constant 0 : i32
    %c0_i32_1 = arith.constant 0 : i32
    return %c0_i32, %c0_i32_0 : i32, i32
  }
  func.func @transform_15(%arg0: i32) -> (i32, i32) {
    %c0_i32 = arith.constant 0 : i32
    %c0_i32_0 = arith.constant 0 : i32
    %c0_i32_1 = arith.constant 0 : i32
    return %c0_i32, %c0_i32_0 : i32, i32
  }
  func.func @transform_16(%arg0: i32) -> (i32, i32) {
    %c0_i32 = arith.constant 0 : i32
    %c0_i32_0 = arith.constant 0 : i32
    %c0_i32_1 = arith.constant 0 : i32
    return %c0_i32, %c0_i32_0 : i32, i32
  }
  func.func @transform_17(%arg0: i32) -> (i32, i32) {
    %c0_i32 = arith.constant 0 : i32
    %c0_i32_0 = arith.constant 0 : i32
    %c0_i32_1 = arith.constant 0 : i32
    return %c0_i32, %c0_i32_0 : i32, i32
  }
  func.func @transform_18(%arg0: i32) -> (i32, i32) {
    %c0_i32 = arith.constant 0 : i32
    %c0_i32_0 = arith.constant 0 : i32
    %c0_i32_1 = arith.constant 0 : i32
    return %c0_i32, %c0_i32_0 : i32, i32
  }
  func.func @transform_19(%arg0: i32) -> (i32, i32) {
    %c0_i32 = arith.constant 0 : i32
    %c0_i32_0 = arith.constant 0 : i32
    %c0_i32_1 = arith.constant 0 : i32
    return %c0_i32, %c0_i32_0 : i32, i32
  }
  func.func @transform_20(%arg0: i32) -> (i32, i32) {
    %c0_i32 = arith.constant 0 : i32
    %c0_i32_0 = arith.constant 0 : i32
    %c0_i32_1 = arith.constant 0 : i32
    return %c0_i32, %c0_i32_0 : i32, i32
  }
  func.func @transform_21(%arg0: i32) -> (i32, i32) {
    %c0_i32 = arith.constant 0 : i32
    %c0_i32_0 = arith.constant 0 : i32
    %c0_i32_1 = arith.constant 0 : i32
    return %c0_i32, %c0_i32_0 : i32, i32
  }
  func.func @transform_22(%arg0: i32) -> (i32, i32) {
    %c0_i32 = arith.constant 0 : i32
    %c0_i32_0 = arith.constant 0 : i32
    return %arg0, %c0_i32 : i32, i32
  }
}

</mosaic_0001>

<sc_bundles>
// kernel: kernel.4.cloned.1.call-start
scs
__scs_entry_jumppad:
0x0: {  	(pc) =	sbr.rel $0x88, $3  }
0x1: {  	(tag) =	ssettag $0x0;
	lr =	simm.s32 $0x1  }
0x2: {  	[smem:$0x3F92] =	sst lr;
	_ =	strace $0xD0000000  }
0x3: {  	_ = 	snop  }
0x4: {  	_ = 	snop  }
0x5: {  	_ = 	snop  }
0x6: {  	_ = 	snop  }
0x7: {  	_ = 	snop  }
__scs_overlays_trampoline_lowered:
0x8: {  	[smem:$0x3FA1] =	sst s0  }
0x9: {  	[smem:$0x3FA2] =	sst s1  }
0xa: {  	[smem:$0x3FA3] =	sst s2  }
0xb: {  	[smem:$0x3FA4] =	sst s3  }
0xc: {  	[smem:$0x3FA5] =	sst s4  }
0xd: {  	[smem:$0x3FA6] =	sst s5  }
0xe: {  	[smem:$0x3FA7] =	sst s6  }
0xf: {  	[smem:$0x3FA8] =	sst s7  }
0x10: {  	[smem:$0x3FA9] =	sst s8  }
0x11: {  	[smem:$0x3FAA] =	sst s9;
	s0 =	simm.s32 @!p0 $0x0  }
0x12: {  	s1 =	sld [smem:$0x3F90];
	s0 =	simm.s32 @p0 $0x1  }
0x13: {  	[smem:$0x3FAB] =	sst s0;
	s0 =	simm.s32 @!p1 $0x0  }
0x14: {  	s2 =	sld [smem:$0x3F8F];
	s0 =	simm.s32 @p1 $0x1  }
0x15: {  	[smem:$0x3FAC] =	sst s0;
	s0 =	simm.s32 @!p2 $0x0  }
0x16: {  	s3 =	sld [smem:$0x3FDB];
	s0 =	simm.s32 @p2 $0x1  }
0x17: {  	s4 =	simm.s32 $0x1BF5;
	[smem:$0x3FAE] =	sst s0  }
0x18: {  	s0 =	sld [smem:$0x3F91];
	_ =	swait.ge [sflag:s4], $0x0  }
0x19: {  	s7 =	sld [smem:$0x3F92]  }
0x1a: {  	s8 =	sadd.s32 $0xFFFFE003, lr  }
0x1b: {  	s9 =	sadd.s32 $0xFFFFFEF7, lr;
	s5 =	simm.s32 $0xFFFFFFFF;
	p2 =	slt.u32 s8, $0xFFFFF086  }
0x1c: {  	p1 =	slt.u32 s9, $0xF7A;
	s5 =	simm.s32 @!p2 $0x0  }
0x1d: {  	s5 =	simm.s32 @p1 $0x1;
	p0 =	seq.s32 s7, s2  }
0x1e: {  	s7 =	smul.u32 @!p0 $0xF7A, s2;
	p2 =	seq.s32 @!p0 s5, $0x0  }
0x1f: {  	s9 =	smul.u32 $0xF7A, s1;
	s8 =	simm.s32 @!p0 $0x1BF5;
	p2 =	por !p2, p0  }
0x20: {  	[sflag:s8] =	ssyncset.s32 @!p0 $0xFFFFF086;
	s6 =	sadd.s32 @!p0 s3, s7;
	s7 =	simm.s32 @!p0 $0x108  }
0x21: {  	s3 =	sadd.s32 s3, s9;
	s6 =	sadd.s32 @!p0 $0x88, s6;
	s7 =	simm.s32 @p2 $0x1082  }
0x22: {  	[simem:s7], [sflag:s8] =	dma.local @!p0 [hbm:s6], $0xF7A  }
0x23: {  	s9 =	sor.u32 $0xD0000000, s2;
	s6 =	simm.s32 $0x108;
	_ =	swait.ge @!p0 [sflag:s8], $0x0  }
0x24: {  	s3 =	sadd.s32 $0x88, s3;
	s6 =	simm.s32 @!p1 $0x1082;
	[sflag:s4] =	ssyncset.s32 $0xFFFFF086  }
0x25: {  	[simem:s6], [sflag:s4] =	dma.local [hbm:s3], $0xF7A  }
0x26: {  	[smem:$0x3F92] =	sst s1;
	(tag) =	ssettag s2;
	_ =	strace s9  }
0x27: {  	s1 =	sld [smem:$0x3FA2]  }
0x28: {  	s2 =	sld [smem:$0x3FA3]  }
0x29: {  	s4 =	sld [smem:$0x3FA5]  }
0x2a: {  	p0 =	seq.s32 s5, $0x0;
	s5 =	sld [smem:$0x3FA6]  }
0x2b: {  	s6 =	sld [smem:$0x3FA7]  }
0x2c: {  	s7 =	sld [smem:$0x3FA8]  }
0x2d: {  	s3 =	simm.s32 $0x108;
	s8 =	sld [smem:$0x3FA9]  }
0x2e: {  	s3 =	simm.s32 @!p0 $0x1082;
	s9 =	sld [smem:$0x3FAA]  }
0x2f: {  	lr =	sadd.s32 s0, s3;
	s0 =	sld [smem:$0x3FA1]  }
0x30: {  	s3 =	sld [smem:$0x3FA4]  }
0x31: {  	[smem:$0x3FAD] =	sst s10  }
0x32: {  	s10 =	sld [smem:$0x3FAB];
	_ =	sdelay $0x3  }
0x33: {  	p0 =	seq.s32 s10, $0x1;
	s10 =	sld [smem:$0x3FAD];
	_ =	sdelay $0x3  }
0x34: {  	[smem:$0x3FAD] =	sst s10  }
0x35: {  	s10 =	sld [smem:$0x3FAC];
	_ =	sdelay $0x3  }
0x36: {  	p1 =	seq.s32 s10, $0x1;
	s10 =	sld [smem:$0x3FAD];
	_ =	sdelay $0x3  }
0x37: {  	[smem:$0x3FAD] =	sst s10  }
0x38: {  	s10 =	sld [smem:$0x3FAE]  }
0x39: {  	_ = 	snop;
	(pc) =	sbr.ind lr, $3  }
0x3a: {  	_ = 	snop  }
0x3b: {  	_ = 	snop  }
0x3c: {  	p2 =	seq.s32 s10, $0x1;
	s10 =	sld [smem:$0x3FAD]  }
0x3d: {  	_ =	shalt  }
0x3e: {  	_ =	shalt  }
0x3f: {  	_ =	shalt  }
0x40: {  	_ =	shalt  }
0x41: {  	_ =	shalt  }
0x42: {  	_ =	shalt  }
0x43: {  	_ =	shalt  }
0x44: {  	_ =	shalt  }
0x45: {  	_ =	shalt  }
0x46: {  	_ =	shalt  }
0x47: {  	_ =	shalt  }
0x48: {  	_ =	shalt  }
0x49: {  	_ =	shalt  }
0x4a: {  	_ =	shalt  }
0x4b: {  	_ =	shalt  }
0x4c: {  	_ =	shalt  }
0x4d: {  	_ =	shalt  }
0x4e: {  	_ =	shalt  }
0x4f: {  	_ =	shalt  }
0x50: {  	_ =	shalt  }
0x51: {  	_ =	shalt  }
0x52: {  	_ =	shalt  }
0x53: {  	_ =	shalt  }
0x54: {  	_ =	shalt  }
0x55: {  	_ =	shalt  }
0x56: {  	_ =	shalt  }
0x57: {  	_ =	shalt  }
0x58: {  	_ =	shalt  }
0x59: {  	_ =	shalt  }
0x5a: {  	_ =	shalt  }
0x5b: {  	_ =	shalt  }
0x5c: {  	_ =	shalt  }
0x5d: {  	_ =	shalt  }
0x5e: {  	_ =	shalt  }
0x5f: {  	_ =	shalt  }
0x60: {  	_ =	shalt  }
0x61: {  	_ =	shalt  }
0x62: {  	_ =	shalt  }
0x63: {  	_ =	shalt  }
0x64: {  	_ =	shalt  }
0x65: {  	_ =	shalt  }
0x66: {  	_ =	shalt  }
0x67: {  	_ =	shalt  }
0x68: {  	_ =	shalt  }
0x69: {  	_ =	shalt  }
0x6a: {  	_ =	shalt  }
0x6b: {  	_ =	shalt  }
0x6c: {  	_ =	shalt  }
0x6d: {  	_ =	shalt  }
0x6e: {  	_ =	shalt  }
0x6f: {  	_ =	shalt  }
0x70: {  	_ =	shalt  }
0x71: {  	_ =	shalt  }
0x72: {  	_ =	shalt  }
0x73: {  	_ =	shalt  }
0x74: {  	_ =	shalt  }
0x75: {  	_ =	shalt  }
0x76: {  	_ =	shalt  }
0x77: {  	_ =	shalt  }
0x78: {  	_ =	shalt  }
0x79: {  	_ =	shalt  }
0x7a: {  	_ =	shalt  }
0x7b: {  	_ =	shalt  }
0x7c: {  	_ =	shalt  }
0x7d: {  	_ =	shalt  }
0x7e: {  	_ =	shalt  }
0x7f: {  	_ =	shalt  }
0x80: {  	_ =	shalt  }
0x81: {  	_ =	shalt  }
0x82: {  	_ =	shalt  }
0x83: {  	_ =	shalt  }
0x84: {  	_ =	shalt  }
0x85: {  	_ =	shalt  }
0x86: {  	_ =	shalt  }
0x87: {  	_ =	shalt  }
.Lfunc_end0:
.L_simem_size_0:
called_computation_lowered:
.L_overlay_start_0:
0x88: {  	s2 =	sld [smem:$0x3FD9]  }
0x89: {  	s3 =	sld [smem:$0x3FFE];
	_ =	sdelay $0x1  }
0x8a: {  	s1 =	srdreg.scid  }
0x8b: {  	s0 =	sand.u32 $0x1, s1  }
0x8c: {  	s17 =	sshll.u32 s0, $0xA;
	s2 =	sadd.s32 s3, s2  }
0x8d: {  	s2 =	sadd.s32 s2, s17  }
0x8e: {  	[smem:$0x3FB9] =	sst s2  }
0x8f: {  	_ = 	snop  }
0x90: {  	s2 =	sld [smem:$0x3FD0];
	(tm) =	ssettm $0x1  }
0x91: {  	s18 =	sld [smem:$0x3FFB];
	_ =	sdelay $0x3  }
0x92: {  	_ =	strace s18  }
0x93: {  	s3 =	sld [smem:$0x3FFC];
	_ =	sdelay $0x3  }
0x94: {  	_ =	strace s3  }
0x95: {  	s3 =	sld [smem:$0x3FFD];
	_ =	sdelay $0x3  }
0x96: {  	_ =	strace s3  }
0x97: {  	_ =	strace $0x8FFFFFFF  }
0x98: {  	s19 =	sld [smem:$0x3FDB];
	_ =	sdelay $0x1  }
0x99: {  	s4 =	simm.s32 $_scs_section_size  }
0x9a: {  	s5 =	simm.s32 $_size__tile_overlayer_lowered;
	s6 =	simm.s32 $_tile_overlayer_lowered  }
0x9b: {  	s22 =	simm.s32 $0x1BFF;
	s21 =	sshll.u32 s6, $0x1;
	s3 =	sadd.s32 s4, s19  }
0x9c: {  	s7 =	simm.s32 $0x0;
	s20 =	sshll.u32 s5, $0x1;
	s5 =	sadd.s32 s21, s3  }
0x9d: {  	[timem:s7], [sflag:s22] =	dma.local [hbm:s5], s20  }
0x9e: {  	_ =	swait.ge [sflag:s22], s20  }
0x9f: {  	s4 =	ssub.s32 $0x0, s20;
	[sflag:s22] =	ssyncset.done $0x0  }
0xa0: {  	[sflag:s22] =	ssyncadd.s32 s4;
	_ =	sdelay $0x1  }
0xa1: {  	s23 =	simm.s32 $0x1B8B  }
0xa2: {  	_ =	swait.ge [sflag:s23], $0x1  }
0xa3: {  	[sflag:s23] =	ssyncset.done $0x0  }
0xa4: {  	s25 =	simm.s32 $0x1B8E;
	s24 =	sld [smem:$0x3FFE];
	[sflag:s23] =	ssyncadd.s32 $0xFFFFFFFF  }
0xa5: {  	s26 =	simm.s32 $execute0_lowered;
	[smem:$0x3FD2] =	sst s25  }
0xa6: {  	s5 =	sshll.u32 s26, $0x1;
	_ =	strace $0x80000046;
	[dreg:$0x1] =	wrdreg $0xFFFFFFFF  }
0xa7: {  	s28 =	simm.s32 $_size_execute0_lowered;
	s3 =	sadd.s32 s3, s5;
	[dreg:$0x0] =	wrdreg $0x0  }
0xa8: {  	s5 =	sshll.u32 s28, $0x1;
	[dreg:$0x2] =	wrdreg s3  }
0xa9: {  	[dreg:$0x3] =	wrdreg s5  }
0xaa: {  	[dreg:$0x4] =	wrdreg $0xC0  }
0xab: {  	_ =	task [dreg:s7], $0x5FFFF  }
0xac: {  	[dreg:$0x1] =	wrdreg $0xFFFFFFFF  }
0xad: {  	[dreg:$0x0] =	wrdreg $0x60  }
0xae: {  	[dreg:$0x2] =	wrdreg s24  }
0xaf: {  	[dreg:$0x3] =	wrdreg s2  }
0xb0: {  	[dreg:$0x4] =	wrdreg $0x9  }
0xb1: {  	_ =	task.clear_ibuf [dreg:s7], $0x5FFFF;
	_ =	strace $0x90000046  }
0xb2: {  	s29 =	simm.s32 $0x9;
	_ =	strace $0x80000048  }
0xb3: {  	_ =	swait.ge [sflag:s29], $0x1  }
0xb4: {  	[sflag:s29] =	ssyncadd.s32 $0xFFFFFFFF  }
0xb5: {  	_ =	strace $0x90000048  }
0xb6: {  	_ =	sfence  }
0xb7: {  	s30 =	sld [smem:$0x0];
	_ =	sdelay $0x2  }
0xb8: {  	s31 =	sshll.u32 s1, $0xD;
	s1 =	sshrl.u32 s1, $0x2  }
0xb9: {  	s3 =	sand.u32 $0x4000, s31;
	s1 =	sadd.s32 s1, s30  }
0xba: {  	s0 =	sor.u32 s3, s0;
	s1 =	sshll.u32 s1, $0x11  }
0xbb: {  	s0 =	sor.u32 s1, s0  }
0xbc: {  	s0 =	sadd.s32 $0x8F2B, s0  }
0xbd: {  	[sflag:s0] =	ssyncadd.remote.s32 $0x1  }
0xbe: {  	_ =	sfence.sel $0xFFFF  }
0xbf: {  	[dreg:$0x0] =	wrdreg $0xFFFFFFFF;
	(pc) =	sbr.abs _section_cstart, $3  }
0xc0: {  	[dreg:$0x1] =	wrdreg $0xFFFFFFFF  }
0xc1: {  	_ =	task.clear_ibuf [dreg:s7], $0x2FFFF;
	_ =	strace $0x9FFFFFFF  }
0xc2: {  	(tm) =	ssettm $0x7FFFFFFF  }
0xc3: {  	_ =	shalt  }
tec
execute0_lowered:
.L_overlay_start_1:
0x0: {  	(tag) =	ssettag $0x1  }
0x1: {  	s4 =	rddreg [dreg:$0x0]  }
0x2: {  	s5 =	rddreg [dreg:$0x1]  }
0x3: {  	s0 =	rddreg [dreg:$0x2];
	s1 =	simm.s32 $0x0;
	s2 =	srdreg.scid  }
0x4: {  	[smem:$0x7FF] =	sst s1;
	s7 =	sand.u32 $0x1, s2  }
0x5: {  	s2 =	stileid.u32;
	s3 =	sadd.s32 $0x497E00, s4;
	_ =	strace $0x80000047  }
0x6: {  	s6 =	ssub.s32 $0x2, s7;
	s8 =	sshll.u32 s2, $0xE;
	s28 =	sshll.u32 s2, $0x7  }
0x7: {  	s29 =	sshll.u32 s2, $0x1;
	s30 =	sshll.u32 s7, $0xD;
	s31 =	sshll.u32 s7, $0x6  }
0x8: {  	s9 =	sshrl.u32 s6, $0x1;
	s8 =	sadd.s32 s8, s4;
	s5 =	sadd.s32 s28, s5  }
0x9: {  	s7 =	sor.u32 s7, s29;
	s26 =	ssub.s32 s6, s9;
	s6 =	sadd.s32 s30, s8  }
0xa: {  	s5 =	sadd.s32 s31, s5;
	s4 =	smax.u32 s26, $0x1;
	s6 =	sadd.s32 $0x61E800, s6  }
.LBB2_1:
0xb: {  	s8 =	sadd.s32 $0x0, s7  }
0xc: {  	p0 =	sgt.u32 s8, $0xC34  }
0xd: {  	s8 =	simm.s32 @!p0 $0x0;
	s9 =	simm.s32 @!p0 $0x3  }
0xe: {  	[tilespmem:s8], [sflag:$0x3] =	stream.linear.gather @!p0 [hbm4b:s5+s8], $0x200, $0x38;
	[tilespmem:$0x10200] =	vst v63  }
0xf: {  	_ =	swait.ge @!p0 [sflag:s9], $0x200  }
0x10: {  	[sflag:s9] =	ssyncset.done @!p0 $0x0;
	p0 =	por p0, p0  }
0x11: {  	[sflag:s9] =	ssyncadd.s32 @!p0 $0xFFFFFE00;
	s9 =	simm.s32 @!p0 $0x80;
	s10 =	simm.s32 @!p0 $0x200  }
0x12: {  	[tilespmem:s10], [sflag:$0x1] =	stream.indirect.gather @!p0 [hbm4b:s3+s9], $0x80, s8, s9, $0xb8;
	[tilespmem:$0x10200] =	vst v63  }
0x13: {  	s11 =	simm.s32 @!p0 $0x4200  }
0x14: {  	[tilespmem:s11], [sflag:$0x1] =	stream.indirect.gather @!p0 [hbm4b:s3+s9], $0x80, s9, s9, $0xb8;
	[tilespmem:$0x10200] =	vst v63  }
0x15: {  	s12 =	simm.s32 @!p0 $0x8200;
	s11 =	simm.s32 @!p0 $0x100  }
0x16: {  	[tilespmem:s12], [sflag:$0x1] =	stream.indirect.gather @!p0 [hbm4b:s3+s9], $0x80, s11, s9, $0xb8;
	[tilespmem:$0x10200] =	vst v63  }
0x17: {  	s13 =	simm.s32 @!p0 $0x1;
	s11 =	simm.s32 @!p0 $0x180;
	s12 =	simm.s32 @!p0 $0xC200  }
0x18: {  	[tilespmem:s12], [sflag:$0x1] =	stream.indirect.gather @!p0 [hbm4b:s3+s9], $0x80, s11, s9, $0xb8;
	[tilespmem:$0x10200] =	vst v63  }
0x19: {  	_ =	swait.ge @!p0 [sflag:s13], $0x4000  }
0x1a: {  	[sflag:s13] =	ssyncset.done @!p0 $0x0  }
0x1b: {  	[sflag:s13] =	ssyncadd.s32 @!p0 $0xFFFFC000  }
0x1c: {  	_ =	swait.ge @!p0 [sflag:s13], $0x4000  }
0x1d: {  	[sflag:s13] =	ssyncset.done @!p0 $0x0  }
0x1e: {  	[sflag:s13] =	ssyncadd.s32 @!p0 $0xFFFFC000  }
0x1f: {  	_ =	swait.ge @!p0 [sflag:s13], $0x4000  }
0x20: {  	[sflag:s13] =	ssyncset.done @!p0 $0x0  }
0x21: {  	[sflag:s13] =	ssyncadd.s32 @!p0 $0xFFFFC000  }
0x22: {  	_ =	swait.ge @!p0 [sflag:s13], $0x4000  }
0x23: {  	[sflag:s13] =	ssyncset.done @!p0 $0x0  }
0x24: {  	s31 =	sadd.s32 $0x20, s7;
	s11 =	simm.s32 @!p0 $0x2;
	[sflag:s13] =	ssyncadd.s32 @!p0 $0xFFFFC000  }
0x25: {  	[hbm4b:s6+s8] =	stream.linear.scatter @!p0 [tilespmem:s10], [sflag:$0x2], $0x10000, $0x38;
	[tilespmem:$0x10200] =	vst v63  }
0x26: {  	p2 =	sgt.u32 s31, $0xC34;
	s9 =	simm.s32 $0x40;
	_ =	swait.ge @!p0 [sflag:s11], $0x10000  }
0x27: {  	s8 =	sadd.s32 $0x40000, s6;
	s10 =	sadd.s32 $0x800, s5;
	[sflag:s11] =	ssyncset.done @!p0 $0x0  }
.LBB2_2:
0x28: {  	s12 =	simm.s32 @!p2 $0x0;
	s13 =	simm.s32 @!p2 $0x3;
	[sflag:s11] =	ssyncadd.s32 @!p0 $0xFFFF0000  }
0x29: {  	[tilespmem:s12], [sflag:$0x3] =	stream.linear.gather @!p2 [hbm4b:s10+s12], $0x200, $0x38;
	[tilespmem:$0x10200] =	vst v63  }
0x2a: {  	s14 =	smov.u32 s9;
	s9 =	sadd.s32 $0x20, s9;
	_ =	swait.ge @!p2 [sflag:s13], $0x200  }
0x2b: {  	p0 =	por p2, p2;
	p1 =	sne.s32 s9, $0xC40;
	[sflag:s13] =	ssyncset.done @!p2 $0x0  }
0x2c: {  	s11 =	simm.s32 @!p0 $0x80;
	[sflag:s13] =	ssyncadd.s32 @!p0 $0xFFFFFE00;
	s13 =	simm.s32 @!p0 $0x200  }
0x2d: {  	[tilespmem:s13], [sflag:$0x1] =	stream.indirect.gather @!p0 [hbm4b:s3+s11], $0x80, s12, s11, $0xb8;
	[tilespmem:$0x10200] =	vst v63  }
0x2e: {  	s15 =	simm.s32 @!p0 $0x4200  }
0x2f: {  	[tilespmem:s15], [sflag:$0x1] =	stream.indirect.gather @!p0 [hbm4b:s3+s11], $0x80, s11, s11, $0xb8;
	[tilespmem:$0x10200] =	vst v63  }
0x30: {  	s16 =	simm.s32 @!p0 $0x8200;
	s15 =	simm.s32 @!p0 $0x100  }
0x31: {  	[tilespmem:s16], [sflag:$0x1] =	stream.indirect.gather @!p0 [hbm4b:s3+s11], $0x80, s15, s11, $0xb8;
	[tilespmem:$0x10200] =	vst v63  }
0x32: {  	s17 =	simm.s32 @!p0 $0x1;
	s15 =	simm.s32 @!p0 $0x180;
	s16 =	simm.s32 @!p0 $0xC200  }
0x33: {  	[tilespmem:s16], [sflag:$0x1] =	stream.indirect.gather @!p0 [hbm4b:s3+s11], $0x80, s15, s11, $0xb8;
	[tilespmem:$0x10200] =	vst v63  }
0x34: {  	_ =	swait.ge @!p0 [sflag:s17], $0x4000  }
0x35: {  	[sflag:s17] =	ssyncset.done @!p0 $0x0  }
0x36: {  	[sflag:s17] =	ssyncadd.s32 @!p0 $0xFFFFC000  }
0x37: {  	_ =	swait.ge @!p0 [sflag:s17], $0x4000  }
0x38: {  	[sflag:s17] =	ssyncset.done @!p0 $0x0  }
0x39: {  	[sflag:s17] =	ssyncadd.s32 @!p0 $0xFFFFC000  }
0x3a: {  	_ =	swait.ge @!p0 [sflag:s17], $0x4000  }
0x3b: {  	[sflag:s17] =	ssyncset.done @!p0 $0x0  }
0x3c: {  	[sflag:s17] =	ssyncadd.s32 @!p0 $0xFFFFC000  }
0x3d: {  	_ =	swait.ge @!p0 [sflag:s17], $0x4000  }
.Ltmp0:
0x3e: {  	[sflag:s17] =	ssyncset.done @!p0 $0x0;
	(pc) =	sbr.rel @p1 .LBB2_2-.Ltmp0, $4  }
0x3f: {  	s11 =	simm.s32 @!p0 $0x2;
	[sflag:s17] =	ssyncadd.s32 @!p0 $0xFFFFC000  }
0x40: {  	[hbm4b:s8+s12] =	stream.linear.scatter @!p0 [tilespmem:s13], [sflag:$0x2], $0x10000, $0x38;
	[tilespmem:$0x10200] =	vst v63  }
0x41: {  	s12 =	sadd.s32 s14, s7;
	s8 =	sadd.s32 $0x40000, s8;
	_ =	swait.ge @!p0 [sflag:s11], $0x10000  }
0x42: {  	s10 =	sadd.s32 $0x800, s10;
	p2 =	sgt.u32 s12, $0xC34;
	[sflag:s11] =	ssyncset.done @!p0 $0x0  }
0x43: {  	s9 =	simm.s32 @!p2 $0x0;
	s12 =	simm.s32 @!p2 $0x3;
	[sflag:s11] =	ssyncadd.s32 @!p0 $0xFFFF0000  }
0x44: {  	[tilespmem:s9], [sflag:$0x3] =	stream.linear.gather @!p2 [hbm4b:s10+s9], $0x200, $0x38;
	[tilespmem:$0x10200] =	vst v63  }
0x45: {  	_ =	swait.ge @!p2 [sflag:s12], $0x200  }
0x46: {  	p0 =	por p2, p2;
	[sflag:s12] =	ssyncset.done @!p2 $0x0  }
0x47: {  	s10 =	simm.s32 @!p0 $0x80;
	s11 =	simm.s32 @!p0 $0x200;
	[sflag:s12] =	ssyncadd.s32 @!p0 $0xFFFFFE00  }
0x48: {  	[tilespmem:s11], [sflag:$0x1] =	stream.indirect.gather @!p0 [hbm4b:s3+s10], $0x80, s9, s10, $0xb8;
	[tilespmem:$0x10200] =	vst v63  }
0x49: {  	s12 =	simm.s32 @!p0 $0x4200  }
0x4a: {  	[tilespmem:s12], [sflag:$0x1] =	stream.indirect.gather @!p0 [hbm4b:s3+s10], $0x80, s10, s10, $0xb8;
	[tilespmem:$0x10200] =	vst v63  }
0x4b: {  	s13 =	simm.s32 @!p0 $0x8200;
	s12 =	simm.s32 @!p0 $0x100  }
0x4c: {  	[tilespmem:s13], [sflag:$0x1] =	stream.indirect.gather @!p0 [hbm4b:s3+s10], $0x80, s12, s10, $0xb8;
	[tilespmem:$0x10200] =	vst v63  }
0x4d: {  	s14 =	simm.s32 @!p0 $0x1;
	s12 =	simm.s32 @!p0 $0x180;
	s13 =	simm.s32 @!p0 $0xC200  }
0x4e: {  	[tilespmem:s13], [sflag:$0x1] =	stream.indirect.gather @!p0 [hbm4b:s3+s10], $0x80, s12, s10, $0xb8;
	[tilespmem:$0x10200] =	vst v63  }
0x4f: {  	_ =	swait.ge @!p0 [sflag:s14], $0x4000  }
0x50: {  	[sflag:s14] =	ssyncset.done @!p0 $0x0  }
0x51: {  	[sflag:s14] =	ssyncadd.s32 @!p0 $0xFFFFC000  }
0x52: {  	_ =	swait.ge @!p0 [sflag:s14], $0x4000  }
0x53: {  	[sflag:s14] =	ssyncset.done @!p0 $0x0  }
0x54: {  	[sflag:s14] =	ssyncadd.s32 @!p0 $0xFFFFC000  }
0x55: {  	_ =	swait.ge @!p0 [sflag:s14], $0x4000  }
0x56: {  	[sflag:s14] =	ssyncset.done @!p0 $0x0  }
0x57: {  	[sflag:s14] =	ssyncadd.s32 @!p0 $0xFFFFC000  }
0x58: {  	s1 =	sadd.s32 $0x1, s1;
	_ =	swait.ge @!p0 [sflag:s14], $0x4000  }
0x59: {  	p1 =	sne.s32 s1, s4;
	[sflag:s14] =	ssyncset.done @!p0 $0x0  }
.Ltmp1:
0x5a: {  	s10 =	simm.s32 @!p0 $0x2;
	[sflag:s14] =	ssyncadd.s32 @!p0 $0xFFFFC000;
	(pc) =	sbr.rel @p1 .LBB2_1-.Ltmp1, $4  }
0x5b: {  	[hbm4b:s8+s9] =	stream.linear.scatter @!p0 [tilespmem:s11], [sflag:$0x2], $0x10000, $0x38;
	[tilespmem:$0x10200] =	vst v63  }
0x5c: {  	_ =	swait.ge @!p0 [sflag:s10], $0x10000  }
0x5d: {  	[sflag:s10] =	ssyncset.done @!p0 $0x0  }
0x5e: {  	[sflag:s10] =	ssyncadd.s32 @!p0 $0xFFFF0000  }
0x5f: {  	_ =	sfence.sel $0x180000  }
0x60: {  	[bflag:$0x0] =	sbarrier.arrive $0xFFFF  }
0x61: {  	p0 =	sne.s32 s2, $0x0;
	_ =	strace $0x90000047  }
0x62: {  	s0 =	sadd.s32 @!p0 $0x100000, s0;
	[bflag:$0x2] =	sbarrier.arrive $0xFFFF  }
0x63: {  	[sflag:s0] =	ssyncadd.tile.s32 @!p0 $0x1;
	_ =	shalt  }
.Lfunc_end2:
_tile_overlayer_lowered:
.L_overlay_start_2:
0x64: {  	(tag) =	ssettag $0x2  }
0x65: {  	s0 =	rddreg [dreg:$0x0];
	s2 =	stileid.u32  }
0x66: {  	s1 =	rddreg [dreg:$0x1];
	p0 =	sne.s32 s2, $0x0  }
0x67: {  	s3 =	rddreg [dreg:$0x2];
	[bflag:$0x3] =	sbarrier.arrive $0xFFFF;
	s2 =	simm.s32 @!p0 $0x1C02  }
0x68: {  	[timem:s3], [sflag:s2] =	dma.local @!p0 [hbm:s0], s1  }
0x69: {  	s0 =	simm.s32 @!p0 $0x2  }
0x6a: {  	_ =	swait.ge @!p0 [sflag:s0], s1  }
0x6b: {  	s1 =	ssub.s32 @!p0 $0x0, s1;
	[sflag:s0] =	ssyncset.done @!p0 $0x0  }
0x6c: {  	[sflag:s0] =	ssyncadd.s32 @!p0 s1  }
0x6d: {  	[bflag:$0x3] =	sbarrier.arrive $0xFFFF  }
0x6e: {  	_ =	shalt  }

</sc_bundles>
